<compile_context>
chip_gen: v7x
topology: tpu7x:2x2x1
jax: 0.10.2.dev20260603
libtpu: 0.0.44.dev20260713+nightly
codegen_flags: <defaults>
</compile_context>

<pallas_src>
import functools

import jax
import jax.numpy as jnp
from jax import lax
from jax.experimental import pallas as pl
from jax.experimental.pallas import tpu as pltpu
from jax.experimental.pallas import tpu_sc as plsc

B = 16384
E = 32
NC = 2
NS = 16
NW = NC * NS
B_PER_W = B // NW
GCHUNK = 128
NCHUNK = B_PER_W // GCHUNK
NTAB = 3
SLOTS = 6
TC = 16384


def _tc_transpose_quarters(tT):
  n = tT.shape[1]
  nq = pl.cdiv(n, 4 * TC)
  tq = nq * TC

  def body(x0, x1, x2, x3, o_ref):
    x_all = jnp.concatenate([x[...] for x in (x0, x1, x2, x3)], axis=0)
    o_ref[...] = jnp.transpose(x_all)

  max_blk = (n - 1) // TC

  def make_spec(c):
    return pl.BlockSpec(
        (E, TC), lambda i, c=c: (0, jnp.minimum(c * nq + i, max_blk)))

  out = pl.pallas_call(
      body,
      grid=(nq,),
      in_specs=[make_spec(c) for c in range(4)],
      out_specs=pl.BlockSpec((TC, 128), lambda i: (i, 0)),
      out_shape=jax.ShapeDtypeStruct((tq, 128), jnp.float32),
  )(tT, tT, tT, tT)
  return out, tq


def _sc_gather(tables, idxs):
  ntab = len(tables)
  mesh = plsc.VectorSubcoreMesh(core_axis_name="c", subcore_axis_name="s")
  out_types = [jax.ShapeDtypeStruct((B, 128), jnp.float32)] * ntab
  scratch = (
      [pltpu.VMEM((B_PER_W,), jnp.int32) for _ in range(ntab)]
      + [pltpu.VMEM((GCHUNK, 128), jnp.float32) for _ in range(SLOTS)]
      + [pltpu.SemaphoreType.DMA]
      + [pltpu.SemaphoreType.DMA] * SLOTS
      + [pltpu.SemaphoreType.DMA] * SLOTS
  )

  @functools.partial(pl.kernel, out_type=out_types, mesh=mesh,
                     scratch_types=scratch,
                     compiler_params=pltpu.CompilerParams(
                         use_tc_tiling_on_sc=True))
  def sc_kernel(*refs):
    t_hbm = refs[0:ntab]
    i_hbm = refs[ntab:2 * ntab]
    o_hbm = refs[2 * ntab:3 * ntab]
    idx_v = refs[3 * ntab:4 * ntab]
    bufs = refs[4 * ntab:4 * ntab + SLOTS]
    sem_i = refs[4 * ntab + SLOTS]
    sem_g = refs[4 * ntab + SLOTS + 1:4 * ntab + 2 * SLOTS + 1]
    sem_o = refs[4 * ntab + 2 * SLOTS + 1:4 * ntab + 3 * SLOTS + 1]

    wid = lax.axis_index("s") * NC + lax.axis_index("c")
    base = wid * B_PER_W

    ih = [pltpu.async_copy(i_hbm[t].at[pl.ds(base, B_PER_W)], idx_v[t], sem_i)
          for t in range(ntab)]
    for h in ih:
      h.wait()

    items = [(t, j) for t in range(ntab) for j in range(NCHUNK)]
    n = len(items)
    gd = [None] * SLOTS
    od = [None] * SLOTS

    def fire_gather(k):
      t, j = items[k]
      s = k % SLOTS
      gd[s] = pltpu.async_copy(
          t_hbm[t].at[idx_v[t].at[pl.ds(j * GCHUNK, GCHUNK)]],
          bufs[s], sem_g[s])

    def fire_out(k):
      t, j = items[k]
      s = k % SLOTS
      gd[s].wait()
      od[s] = pltpu.async_copy(
          bufs[s], o_hbm[t].at[pl.ds(base + j * GCHUNK, GCHUNK)], sem_o[s])

    for k in range(n):
      s = k % SLOTS
      if k >= SLOTS:
        od[s].wait()
      fire_gather(k)
      if k >= SLOTS - 1:
        fire_out(k - (SLOTS - 1))
    for k in range(n - (SLOTS - 1), n):
      if k >= 0:
        fire_out(k)
    for h in od:
      if h is not None:
        h.wait()

  return sc_kernel(*tables, *idxs)


def _tc_mlp(wu, wm, ws, pu, pm, W_lin, b_lin, W1, b1,
            W2, b2, W3, b3, W_out, b_out):
  blk = 4096

  def body(wu_r, wm_r, ws_r, pu_r, pm_r, wlin, blin, w1, b1r,
           w2, b2r, w3, b3r, wout, bout, o_ref):
    wum = wu_r[...]
    wmm = wm_r[...]
    pum = pu_r[...][:, None]
    pmm = pm_r[...][:, None]
    xu = jnp.zeros((blk, E), jnp.float32)
    xm = jnp.zeros((blk, E), jnp.float32)
    for c in range(4):
      xu = xu + jnp.where(pum == c, wum[:, c * E:(c + 1) * E], 0.0)
      xm = xm + jnp.where(pmm == c, wmm[:, c * E:(c + 1) * E], 0.0)
    xs = ws_r[...]
    w1m_ = w1[...]
    wlinm = wlin[...]
    h = (jnp.dot(xu, w1m_[0:E, :], preferred_element_type=jnp.float32)
         + jnp.dot(xm, w1m_[E:2 * E, :], preferred_element_type=jnp.float32)
         + jnp.dot(xs, w1m_[2 * E:, :], preferred_element_type=jnp.float32)
         + b1r[...][None, :])
    fm = (jnp.dot(xu, wlinm[0:E, :], preferred_element_type=jnp.float32)
          + jnp.dot(xm, wlinm[E:2 * E, :], preferred_element_type=jnp.float32)
          + jnp.dot(xs, wlinm[2 * E:, :], preferred_element_type=jnp.float32)
          + blin[...][None, :])
    h = jnp.maximum(h, 0.0)
    h = jnp.maximum(jnp.dot(h, w2[...], preferred_element_type=jnp.float32)
                    + b2r[...][None, :], 0.0)
    h = jnp.maximum(jnp.dot(h, w3[...], preferred_element_type=jnp.float32)
                    + b3r[...][None, :], 0.0)
    woutm = wout[...]
    out = (jnp.dot(h, woutm[0:32, :], preferred_element_type=jnp.float32)
           + fm * woutm[32:33, :] + bout[...][None, :])
    o_ref[...] = out

  wide_spec = pl.BlockSpec((blk, 128), lambda i: (i, 0))
  ph_spec = pl.BlockSpec((blk,), lambda i: (i,))

  def full(x):
    shp = x.shape
    return pl.BlockSpec(shp, lambda i: tuple(0 for _ in shp))

  args = (W_lin, b_lin, W1, b1, W2, b2, W3, b3, W_out, b_out)
  out = pl.pallas_call(
      body,
      grid=(B // blk,),
      in_specs=[wide_spec] * 3 + [ph_spec] * 2 + [full(a) for a in args],
      out_specs=pl.BlockSpec((blk, 1), lambda i: (i, 0)),
      out_shape=jax.ShapeDtypeStruct((B, 1), jnp.float32),
  )(wu, wm, ws, pu, pm, *args)
  return out


def kernel(user, movie, gender, occupation, age, genres,
           user_table, movie_table, gender_table, occupation_table, age_table,
           genre_table, W_lin, b_lin, W1, b1, W2, b2, W3, b3, W_out, b_out):
  iu = user.astype(jnp.int32)
  im = movie.astype(jnp.int32)
  ig = gender.astype(jnp.int32)
  io = occupation.astype(jnp.int32)
  ia = age.astype(jnp.int32)
  ie = genres.astype(jnp.int32)

  mt_q, tq_m = _tc_transpose_quarters(jnp.swapaxes(movie_table, 0, 1))

  ng, no, na, ne = (gender_table.shape[0], occupation_table.shape[0],
                    age_table.shape[0], genre_table.shape[0])
  small_tab = jnp.concatenate([
      jnp.broadcast_to(gender_table[:, None, None, None, :],
                       (ng, no, na, ne, E)),
      jnp.broadcast_to(occupation_table[None, :, None, None, :],
                       (ng, no, na, ne, E)),
      jnp.broadcast_to(age_table[None, None, :, None, :],
                       (ng, no, na, ne, E)),
      jnp.broadcast_to(genre_table[None, None, None, :, :],
                       (ng, no, na, ne, E)),
  ], axis=-1).reshape(ng * no * na * ne, 128)
  small_idx = ((ig * no + io) * na + ia) * ne + ie

  wm, ws = _sc_gather((mt_q, small_tab), (im % tq_m, small_idx))
  ut_q, tq_u = _tc_transpose_quarters(jnp.swapaxes(user_table, 0, 1))
  (wu,) = _sc_gather((ut_q,), (iu % tq_u,))

  out = _tc_mlp(wu, wm, ws, iu // tq_u, im // tq_m,
                W_lin, b_lin, W1, b1, W2, b2, W3, b3, W_out, b_out)
  return out[:, 0]

# --- scband reference (transcript-rebuilt; emitter-appended) ---
"""Pipeline reference for scband-deep-fm-74569222193287 (READ-ONLY COPY).

The authoritative reference and input builder live on the scoring server;
editing this copy changes nothing except your own understanding.
"""

import jax, jax.numpy as jnp
import numpy as np

B = 16384
E = 32
NUM_USERS = 1000000
NUM_MOVIES = 100000
NUM_GENDERS = 2
NUM_OCCUPATIONS = 21
NUM_AGE_BINS = 7
NUM_GENRES = 18


def setup_inputs(seed: int = 0) -> dict:
    key = jax.random.key(seed)
    ks = jax.random.split(key, 22)
    inp = {}
    inp["user"] = jax.random.randint(ks[0], (B,), 0, NUM_USERS, dtype=jnp.int64 if jax.config.jax_enable_x64 else jnp.int32)
    inp["movie"] = jax.random.randint(ks[1], (B,), 0, NUM_MOVIES)
    inp["gender"] = jax.random.randint(ks[2], (B,), 0, NUM_GENDERS)
    inp["occupation"] = jax.random.randint(ks[3], (B,), 0, NUM_OCCUPATIONS)
    inp["age"] = jax.random.randint(ks[4], (B,), 0, NUM_AGE_BINS)
    inp["genres"] = jax.random.randint(ks[5], (B,), 0, NUM_GENRES)
    # learned parameters
    inp["user_table"] = jax.random.normal(ks[6], (NUM_USERS, E), dtype=jnp.float32) * 0.01
    inp["movie_table"] = jax.random.normal(ks[7], (NUM_MOVIES, E), dtype=jnp.float32) * 0.01
    inp["gender_table"] = jax.random.normal(ks[8], (NUM_GENDERS, E), dtype=jnp.float32) * 0.01
    inp["occupation_table"] = jax.random.normal(ks[9], (NUM_OCCUPATIONS, E), dtype=jnp.float32) * 0.01
    inp["age_table"] = jax.random.normal(ks[10], (NUM_AGE_BINS, E), dtype=jnp.float32) * 0.01
    inp["genre_table"] = jax.random.normal(ks[11], (NUM_GENRES, E), dtype=jnp.float32) * 0.01
    D = E * 6
    inp["W_lin"] = jax.random.normal(ks[12], (D, 1), dtype=jnp.float32) * 0.02
    inp["b_lin"] = jnp.zeros((1,), dtype=jnp.float32)
    inp["W1"] = jax.random.normal(ks[13], (D, 128), dtype=jnp.float32) * 0.02
    inp["b1"] = jnp.zeros((128,), dtype=jnp.float32)
    inp["W2"] = jax.random.normal(ks[14], (128, 64), dtype=jnp.float32) * 0.02
    inp["b2"] = jnp.zeros((64,), dtype=jnp.float32)
    inp["W3"] = jax.random.normal(ks[15], (64, 32), dtype=jnp.float32) * 0.02
    inp["b3"] = jnp.zeros((32,), dtype=jnp.float32)
    inp["W_out"] = jax.random.normal(ks[16], (32 + 1, 1), dtype=jnp.float32) * 0.02
    inp["b_out"] = jnp.zeros((1,), dtype=jnp.float32)
    return inp


def reference(user, movie, gender, occupation, age, genres,
              user_table, movie_table, gender_table, occupation_table, age_table, genre_table,
              W_lin, b_lin, W1, b1, W2, b2, W3, b3, W_out, b_out):
    user_embed = jnp.take(user_table, user, axis=0)
    movie_embed = jnp.take(movie_table, movie, axis=0)
    gender_embed = jnp.take(gender_table, gender, axis=0)
    occupation_embed = jnp.take(occupation_table, occupation, axis=0)
    age_embed = jnp.take(age_table, age, axis=0)
    genre_embed = jnp.take(genre_table, genres, axis=0)
    x = jnp.concatenate([user_embed, movie_embed, gender_embed, occupation_embed, age_embed, genre_embed], axis=1)
    fm_out = x @ W_lin + b_lin
    h = jax.nn.relu(x @ W1 + b1)
    h = jax.nn.relu(h @ W2 + b2)
    h = jax.nn.relu(h @ W3 + b3)
    out = jnp.concatenate([h, fm_out], axis=1) @ W_out + b_out
    return out.squeeze(1)

if __name__ == "__main__":
    import jax
    _d = setup_inputs()
    print(jax.jit(kernel)(*tuple(_d.values())))

</pallas_src>

<mosaic_0001>
#map = affine_map<(d0, d1) -> (0, 0)>
#map1 = affine_map<(d0, d1) -> (0)>
module attributes {stable_mosaic.version = 14 : i64} {
  func.func @sc_kernel(%arg0: i32, %arg1: i32, %arg2: memref<262144x128xf32, #tpu.memory_space<hbm>>, %arg3: memref<16384xi32, #tpu.memory_space<hbm>>, %arg4: memref<16384x128xf32, #tpu.memory_space<hbm>>, %arg5: memref<512xi32, #tpu.memory_space<vmem>>, %arg6: memref<128x128xf32, #tpu.memory_space<vmem>>, %arg7: memref<128x128xf32, #tpu.memory_space<vmem>>, %arg8: memref<128x128xf32, #tpu.memory_space<vmem>>, %arg9: memref<128x128xf32, #tpu.memory_space<vmem>>, %arg10: memref<128x128xf32, #tpu.memory_space<vmem>>, %arg11: memref<128x128xf32, #tpu.memory_space<vmem>>, %arg12: memref<!tpu.dma_semaphore, #tpu.memory_space<semaphore_mem>>, %arg13: memref<!tpu.dma_semaphore, #tpu.memory_space<semaphore_mem>>, %arg14: memref<!tpu.dma_semaphore, #tpu.memory_space<semaphore_mem>>, %arg15: memref<!tpu.dma_semaphore, #tpu.memory_space<semaphore_mem>>, %arg16: memref<!tpu.dma_semaphore, #tpu.memory_space<semaphore_mem>>, %arg17: memref<!tpu.dma_semaphore, #tpu.memory_space<semaphore_mem>>, %arg18: memref<!tpu.dma_semaphore, #tpu.memory_space<semaphore_mem>>, %arg19: memref<!tpu.dma_semaphore, #tpu.memory_space<semaphore_mem>>, %arg20: memref<!tpu.dma_semaphore, #tpu.memory_space<semaphore_mem>>, %arg21: memref<!tpu.dma_semaphore, #tpu.memory_space<semaphore_mem>>, %arg22: memref<!tpu.dma_semaphore, #tpu.memory_space<semaphore_mem>>, %arg23: memref<!tpu.dma_semaphore, #tpu.memory_space<semaphore_mem>>, %arg24: memref<!tpu.dma_semaphore, #tpu.memory_space<semaphore_mem>>) attributes {dimension_semantics = [#tpu.dimension_semantics<core_parallel>, #tpu.dimension_semantics<subcore_parallel>], iteration_bounds = array<i64: 2, 16>, scalar_prefetch = 0 : i64, scratch_operands = 20 : i64, tpu.core_type = #tpu.core_type<sc_vector_subcore>, window_params = [{transform_indices = #map}, {transform_indices = #map1}, {transform_indices = #map}]} {
    %mul3A = arith.constant 2 : i32
    %mul3A_0 = arith.muli %arg1, %mul3A : i32
    %add3A = arith.addi %mul3A_0, %arg0 : i32
    %mul3A_1 = arith.constant 512 : i32
    %mul3A_2 = arith.muli %add3A, %mul3A_1 : i32
    %dma_start3A = tpu.memref_slice %arg3[%mul3A_2] : memref<16384xi32, #tpu.memory_space<hbm>> -> memref<512xi32, #tpu.memory_space<hbm>>
    %dma_start3A_3 = tpu.memref_slice %arg3[%mul3A_2] : memref<16384xi32, #tpu.memory_space<hbm>> -> memref<512xi32, #tpu.memory_space<hbm>>
    tpu.enqueue_dma source(%dma_start3A_3 : memref<512xi32, #tpu.memory_space<hbm>>) target(%arg5 : memref<512xi32, #tpu.memory_space<vmem>>) target_semaphore(%arg12 : memref<!tpu.dma_semaphore, #tpu.memory_space<semaphore_mem>>)
    %dma_wait3A = tpu.memref_slice %arg3[%mul3A_2] : memref<16384xi32, #tpu.memory_space<hbm>> -> memref<512xi32, #tpu.memory_space<hbm>>
    %dma_wait3A_4 = tpu.memref_slice %arg3[%mul3A_2] : memref<16384xi32, #tpu.memory_space<hbm>> -> memref<512xi32, #tpu.memory_space<hbm>>
    tpu.wait_dma2 semaphore(%arg12 : memref<!tpu.dma_semaphore, #tpu.memory_space<semaphore_mem>>) src(%dma_wait3A_4 : memref<512xi32, #tpu.memory_space<hbm>>) dst(%arg5 : memref<512xi32, #tpu.memory_space<vmem>>)
    %dma_start3A_5 = arith.constant 0 : i32
    %dma_start3A_6 = tpu.memref_slice %arg5[%dma_start3A_5] : memref<512xi32, #tpu.memory_space<vmem>> -> memref<128xi32, #tpu.memory_space<vmem>>
    %dma_start3A_7 = arith.constant 0 : i32
    %dma_start3A_8 = arith.constant 0 : i32
    %dma_start3A_9 = tpu.memref_slice %arg2[%dma_start3A_7, %dma_start3A_8] : memref<262144x128xf32, #tpu.memory_space<hbm>> -> memref<262144x128xf32, #tpu.memory_space<hbm>>
    tpu.enqueue_indirect_dma source(%dma_start3A_9 : memref<262144x128xf32, #tpu.memory_space<hbm>>) target(%arg6 : memref<128x128xf32, #tpu.memory_space<vmem>>) offsets(%dma_start3A_6 : memref<128xi32, #tpu.memory_space<vmem>>) semaphore(%arg13 : memref<!tpu.dma_semaphore, #tpu.memory_space<semaphore_mem>>)
    %dma_start3A_10 = arith.constant 128 : i32
    %dma_start3A_11 = tpu.memref_slice %arg5[%dma_start3A_10] : memref<512xi32, #tpu.memory_space<vmem>> -> memref<128xi32, #tpu.memory_space<vmem>>
    %dma_start3A_12 = arith.constant 0 : i32
    %dma_start3A_13 = arith.constant 0 : i32
    %dma_start3A_14 = tpu.memref_slice %arg2[%dma_start3A_12, %dma_start3A_13] : memref<262144x128xf32, #tpu.memory_space<hbm>> -> memref<262144x128xf32, #tpu.memory_space<hbm>>
    tpu.enqueue_indirect_dma source(%dma_start3A_14 : memref<262144x128xf32, #tpu.memory_space<hbm>>) target(%arg7 : memref<128x128xf32, #tpu.memory_space<vmem>>) offsets(%dma_start3A_11 : memref<128xi32, #tpu.memory_space<vmem>>) semaphore(%arg14 : memref<!tpu.dma_semaphore, #tpu.memory_space<semaphore_mem>>)
    %dma_start3A_15 = arith.constant 256 : i32
    %dma_start3A_16 = tpu.memref_slice %arg5[%dma_start3A_15] : memref<512xi32, #tpu.memory_space<vmem>> -> memref<128xi32, #tpu.memory_space<vmem>>
    %dma_start3A_17 = arith.constant 0 : i32
    %dma_start3A_18 = arith.constant 0 : i32
    %dma_start3A_19 = tpu.memref_slice %arg2[%dma_start3A_17, %dma_start3A_18] : memref<262144x128xf32, #tpu.memory_space<hbm>> -> memref<262144x128xf32, #tpu.memory_space<hbm>>
    tpu.enqueue_indirect_dma source(%dma_start3A_19 : memref<262144x128xf32, #tpu.memory_space<hbm>>) target(%arg8 : memref<128x128xf32, #tpu.memory_space<vmem>>) offsets(%dma_start3A_16 : memref<128xi32, #tpu.memory_space<vmem>>) semaphore(%arg15 : memref<!tpu.dma_semaphore, #tpu.memory_space<semaphore_mem>>)
    %dma_start3A_20 = arith.constant 384 : i32
    %dma_start3A_21 = tpu.memref_slice %arg5[%dma_start3A_20] : memref<512xi32, #tpu.memory_space<vmem>> -> memref<128xi32, #tpu.memory_space<vmem>>
    %dma_start3A_22 = arith.constant 0 : i32
    %dma_start3A_23 = arith.constant 0 : i32
    %dma_start3A_24 = tpu.memref_slice %arg2[%dma_start3A_22, %dma_start3A_23] : memref<262144x128xf32, #tpu.memory_space<hbm>> -> memref<262144x128xf32, #tpu.memory_space<hbm>>
    tpu.enqueue_indirect_dma source(%dma_start3A_24 : memref<262144x128xf32, #tpu.memory_space<hbm>>) target(%arg9 : memref<128x128xf32, #tpu.memory_space<vmem>>) offsets(%dma_start3A_21 : memref<128xi32, #tpu.memory_space<vmem>>) semaphore(%arg16 : memref<!tpu.dma_semaphore, #tpu.memory_space<semaphore_mem>>)
    %dma_wait3A_25 = arith.constant 0 : i32
    %dma_wait3A_26 = tpu.memref_slice %arg5[%dma_wait3A_25] : memref<512xi32, #tpu.memory_space<vmem>> -> memref<128xi32, #tpu.memory_space<vmem>>
    %dma_wait3A_27 = arith.constant 0 : i32
    %dma_wait3A_28 = arith.constant 0 : i32
    %dma_wait3A_29 = tpu.memref_slice %arg2[%dma_wait3A_27, %dma_wait3A_28] : memref<262144x128xf32, #tpu.memory_space<hbm>> -> memref<262144x128xf32, #tpu.memory_space<hbm>>
    tpu.wait_indirect_dma semaphore(%arg13 : memref<!tpu.dma_semaphore, #tpu.memory_space<semaphore_mem>>) src(%dma_wait3A_29 : memref<262144x128xf32, #tpu.memory_space<hbm>>) dst(%arg6 : memref<128x128xf32, #tpu.memory_space<vmem>>)
    %add3A_30 = arith.constant 0 : i32
    %add3A_31 = arith.addi %mul3A_2, %add3A_30 : i32
    %dma_start3A_32 = arith.constant 0 : i32
    %dma_start3A_33 = tpu.memref_slice %arg4[%add3A_31, %dma_start3A_32] : memref<16384x128xf32, #tpu.memory_space<hbm>> -> memref<128x128xf32, #tpu.memory_space<hbm>>
    %dma_start3A_34 = arith.constant 0 : i32
    %dma_start3A_35 = tpu.memref_slice %arg4[%add3A_31, %dma_start3A_34] : memref<16384x128xf32, #tpu.memory_space<hbm>> -> memref<128x128xf32, #tpu.memory_space<hbm>>
    tpu.enqueue_dma source(%arg6 : memref<128x128xf32, #tpu.memory_space<vmem>>) target(%dma_start3A_35 : memref<128x128xf32, #tpu.memory_space<hbm>>) target_semaphore(%arg19 : memref<!tpu.dma_semaphore, #tpu.memory_space<semaphore_mem>>)
    %dma_wait3A_36 = arith.constant 128 : i32
    %dma_wait3A_37 = tpu.memref_slice %arg5[%dma_wait3A_36] : memref<512xi32, #tpu.memory_space<vmem>> -> memref<128xi32, #tpu.memory_space<vmem>>
    %dma_wait3A_38 = arith.constant 0 : i32
    %dma_wait3A_39 = arith.constant 0 : i32
    %dma_wait3A_40 = tpu.memref_slice %arg2[%dma_wait3A_38, %dma_wait3A_39] : memref<262144x128xf32, #tpu.memory_space<hbm>> -> memref<262144x128xf32, #tpu.memory_space<hbm>>
    tpu.wait_indirect_dma semaphore(%arg14 : memref<!tpu.dma_semaphore, #tpu.memory_space<semaphore_mem>>) src(%dma_wait3A_40 : memref<262144x128xf32, #tpu.memory_space<hbm>>) dst(%arg7 : memref<128x128xf32, #tpu.memory_space<vmem>>)
    %add3A_41 = arith.constant 128 : i32
    %add3A_42 = arith.addi %mul3A_2, %add3A_41 : i32
    %dma_start3A_43 = arith.constant 0 : i32
    %dma_start3A_44 = tpu.memref_slice %arg4[%add3A_42, %dma_start3A_43] : memref<16384x128xf32, #tpu.memory_space<hbm>> -> memref<128x128xf32, #tpu.memory_space<hbm>>
    %dma_start3A_45 = arith.constant 0 : i32
    %dma_start3A_46 = tpu.memref_slice %arg4[%add3A_42, %dma_start3A_45] : memref<16384x128xf32, #tpu.memory_space<hbm>> -> memref<128x128xf32, #tpu.memory_space<hbm>>
    tpu.enqueue_dma source(%arg7 : memref<128x128xf32, #tpu.memory_space<vmem>>) target(%dma_start3A_46 : memref<128x128xf32, #tpu.memory_space<hbm>>) target_semaphore(%arg20 : memref<!tpu.dma_semaphore, #tpu.memory_space<semaphore_mem>>)
    %dma_wait3A_47 = arith.constant 256 : i32
    %dma_wait3A_48 = tpu.memref_slice %arg5[%dma_wait3A_47] : memref<512xi32, #tpu.memory_space<vmem>> -> memref<128xi32, #tpu.memory_space<vmem>>
    %dma_wait3A_49 = arith.constant 0 : i32
    %dma_wait3A_50 = arith.constant 0 : i32
    %dma_wait3A_51 = tpu.memref_slice %arg2[%dma_wait3A_49, %dma_wait3A_50] : memref<262144x128xf32, #tpu.memory_space<hbm>> -> memref<262144x128xf32, #tpu.memory_space<hbm>>
    tpu.wait_indirect_dma semaphore(%arg15 : memref<!tpu.dma_semaphore, #tpu.memory_space<semaphore_mem>>) src(%dma_wait3A_51 : memref<262144x128xf32, #tpu.memory_space<hbm>>) dst(%arg8 : memref<128x128xf32, #tpu.memory_space<vmem>>)
    %add3A_52 = arith.constant 256 : i32
    %add3A_53 = arith.addi %mul3A_2, %add3A_52 : i32
    %dma_start3A_54 = arith.constant 0 : i32
    %dma_start3A_55 = tpu.memref_slice %arg4[%add3A_53, %dma_start3A_54] : memref<16384x128xf32, #tpu.memory_space<hbm>> -> memref<128x128xf32, #tpu.memory_space<hbm>>
    %dma_start3A_56 = arith.constant 0 : i32
    %dma_start3A_57 = tpu.memref_slice %arg4[%add3A_53, %dma_start3A_56] : memref<16384x128xf32, #tpu.memory_space<hbm>> -> memref<128x128xf32, #tpu.memory_space<hbm>>
    tpu.enqueue_dma source(%arg8 : memref<128x128xf32, #tpu.memory_space<vmem>>) target(%dma_start3A_57 : memref<128x128xf32, #tpu.memory_space<hbm>>) target_semaphore(%arg21 : memref<!tpu.dma_semaphore, #tpu.memory_space<semaphore_mem>>)
    %dma_wait3A_58 = arith.constant 384 : i32
    %dma_wait3A_59 = tpu.memref_slice %arg5[%dma_wait3A_58] : memref<512xi32, #tpu.memory_space<vmem>> -> memref<128xi32, #tpu.memory_space<vmem>>
    %dma_wait3A_60 = arith.constant 0 : i32
    %dma_wait3A_61 = arith.constant 0 : i32
    %dma_wait3A_62 = tpu.memref_slice %arg2[%dma_wait3A_60, %dma_wait3A_61] : memref<262144x128xf32, #tpu.memory_space<hbm>> -> memref<262144x128xf32, #tpu.memory_space<hbm>>
    tpu.wait_indirect_dma semaphore(%arg16 : memref<!tpu.dma_semaphore, #tpu.memory_space<semaphore_mem>>) src(%dma_wait3A_62 : memref<262144x128xf32, #tpu.memory_space<hbm>>) dst(%arg9 : memref<128x128xf32, #tpu.memory_space<vmem>>)
    %add3A_63 = arith.constant 384 : i32
    %add3A_64 = arith.addi %mul3A_2, %add3A_63 : i32
    %dma_start3A_65 = arith.constant 0 : i32
    %dma_start3A_66 = tpu.memref_slice %arg4[%add3A_64, %dma_start3A_65] : memref<16384x128xf32, #tpu.memory_space<hbm>> -> memref<128x128xf32, #tpu.memory_space<hbm>>
    %dma_start3A_67 = arith.constant 0 : i32
    %dma_start3A_68 = tpu.memref_slice %arg4[%add3A_64, %dma_start3A_67] : memref<16384x128xf32, #tpu.memory_space<hbm>> -> memref<128x128xf32, #tpu.memory_space<hbm>>
    tpu.enqueue_dma source(%arg9 : memref<128x128xf32, #tpu.memory_space<vmem>>) target(%dma_start3A_68 : memref<128x128xf32, #tpu.memory_space<hbm>>) target_semaphore(%arg22 : memref<!tpu.dma_semaphore, #tpu.memory_space<semaphore_mem>>)
    %dma_wait3A_69 = arith.constant 0 : i32
    %dma_wait3A_70 = tpu.memref_slice %arg4[%add3A_31, %dma_wait3A_69] : memref<16384x128xf32, #tpu.memory_space<hbm>> -> memref<128x128xf32, #tpu.memory_space<hbm>>
    %dma_wait3A_71 = arith.constant 0 : i32
    %dma_wait3A_72 = tpu.memref_slice %arg4[%add3A_31, %dma_wait3A_71] : memref<16384x128xf32, #tpu.memory_space<hbm>> -> memref<128x128xf32, #tpu.memory_space<hbm>>
    tpu.wait_dma2 semaphore(%arg19 : memref<!tpu.dma_semaphore, #tpu.memory_space<semaphore_mem>>) src(%arg6 : memref<128x128xf32, #tpu.memory_space<vmem>>) dst(%dma_wait3A_72 : memref<128x128xf32, #tpu.memory_space<hbm>>)
    %dma_wait3A_73 = arith.constant 0 : i32
    %dma_wait3A_74 = tpu.memref_slice %arg4[%add3A_42, %dma_wait3A_73] : memref<16384x128xf32, #tpu.memory_space<hbm>> -> memref<128x128xf32, #tpu.memory_space<hbm>>
    %dma_wait3A_75 = arith.constant 0 : i32
    %dma_wait3A_76 = tpu.memref_slice %arg4[%add3A_42, %dma_wait3A_75] : memref<16384x128xf32, #tpu.memory_space<hbm>> -> memref<128x128xf32, #tpu.memory_space<hbm>>
    tpu.wait_dma2 semaphore(%arg20 : memref<!tpu.dma_semaphore, #tpu.memory_space<semaphore_mem>>) src(%arg7 : memref<128x128xf32, #tpu.memory_space<vmem>>) dst(%dma_wait3A_76 : memref<128x128xf32, #tpu.memory_space<hbm>>)
    %dma_wait3A_77 = arith.constant 0 : i32
    %dma_wait3A_78 = tpu.memref_slice %arg4[%add3A_53, %dma_wait3A_77] : memref<16384x128xf32, #tpu.memory_space<hbm>> -> memref<128x128xf32, #tpu.memory_space<hbm>>
    %dma_wait3A_79 = arith.constant 0 : i32
    %dma_wait3A_80 = tpu.memref_slice %arg4[%add3A_53, %dma_wait3A_79] : memref<16384x128xf32, #tpu.memory_space<hbm>> -> memref<128x128xf32, #tpu.memory_space<hbm>>
    tpu.wait_dma2 semaphore(%arg21 : memref<!tpu.dma_semaphore, #tpu.memory_space<semaphore_mem>>) src(%arg8 : memref<128x128xf32, #tpu.memory_space<vmem>>) dst(%dma_wait3A_80 : memref<128x128xf32, #tpu.memory_space<hbm>>)
    %dma_wait3A_81 = arith.constant 0 : i32
    %dma_wait3A_82 = tpu.memref_slice %arg4[%add3A_64, %dma_wait3A_81] : memref<16384x128xf32, #tpu.memory_space<hbm>> -> memref<128x128xf32, #tpu.memory_space<hbm>>
    %dma_wait3A_83 = arith.constant 0 : i32
    %dma_wait3A_84 = tpu.memref_slice %arg4[%add3A_64, %dma_wait3A_83] : memref<16384x128xf32, #tpu.memory_space<hbm>> -> memref<128x128xf32, #tpu.memory_space<hbm>>
    tpu.wait_dma2 semaphore(%arg22 : memref<!tpu.dma_semaphore, #tpu.memory_space<semaphore_mem>>) src(%arg9 : memref<128x128xf32, #tpu.memory_space<vmem>>) dst(%dma_wait3A_84 : memref<128x128xf32, #tpu.memory_space<hbm>>)
    return
  }
}

#map = affine_map<(d0, d1) -> (0, 0)>
#map1 = affine_map<(d0, d1) -> (0)>
module attributes {stable_mosaic.version = 14 : i64} {
  func.func @sc_kernel(%arg0: i32, %arg1: i32, %arg2: memref<32768x128xf32, #tpu.memory_space<hbm>>, %arg3: memref<5292x128xf32, #tpu.memory_space<hbm>>, %arg4: memref<16384xi32, #tpu.memory_space<hbm>>, %arg5: memref<16384xi32, #tpu.memory_space<hbm>>, %arg6: memref<16384x128xf32, #tpu.memory_space<hbm>>, %arg7: memref<16384x128xf32, #tpu.memory_space<hbm>>, %arg8: memref<512xi32, #tpu.memory_space<vmem>>, %arg9: memref<512xi32, #tpu.memory_space<vmem>>, %arg10: memref<128x128xf32, #tpu.memory_space<vmem>>, %arg11: memref<128x128xf32, #tpu.memory_space<vmem>>, %arg12: memref<128x128xf32, #tpu.memory_space<vmem>>, %arg13: memref<128x128xf32, #tpu.memory_space<vmem>>, %arg14: memref<128x128xf32, #tpu.memory_space<vmem>>, %arg15: memref<128x128xf32, #tpu.memory_space<vmem>>, %arg16: memref<!tpu.dma_semaphore, #tpu.memory_space<semaphore_mem>>, %arg17: memref<!tpu.dma_semaphore, #tpu.memory_space<semaphore_mem>>, %arg18: memref<!tpu.dma_semaphore, #tpu.memory_space<semaphore_mem>>, %arg19: memref<!tpu.dma_semaphore, #tpu.memory_space<semaphore_mem>>, %arg20: memref<!tpu.dma_semaphore, #tpu.memory_space<semaphore_mem>>, %arg21: memref<!tpu.dma_semaphore, #tpu.memory_space<semaphore_mem>>, %arg22: memref<!tpu.dma_semaphore, #tpu.memory_space<semaphore_mem>>, %arg23: memref<!tpu.dma_semaphore, #tpu.memory_space<semaphore_mem>>, %arg24: memref<!tpu.dma_semaphore, #tpu.memory_space<semaphore_mem>>, %arg25: memref<!tpu.dma_semaphore, #tpu.memory_space<semaphore_mem>>, %arg26: memref<!tpu.dma_semaphore, #tpu.memory_space<semaphore_mem>>, %arg27: memref<!tpu.dma_semaphore, #tpu.memory_space<semaphore_mem>>, %arg28: memref<!tpu.dma_semaphore, #tpu.memory_space<semaphore_mem>>) attributes {dimension_semantics = [#tpu.dimension_semantics<core_parallel>, #tpu.dimension_semantics<subcore_parallel>], iteration_bounds = array<i64: 2, 16>, scalar_prefetch = 0 : i64, scratch_operands = 21 : i64, tpu.core_type = #tpu.core_type<sc_vector_subcore>, window_params = [{transform_indices = #map}, {transform_indices = #map}, {transform_indices = #map1}, {transform_indices = #map1}, {transform_indices = #map}, {transform_indices = #map}]} {
    %mul3A = arith.constant 2 : i32
    %mul3A_0 = arith.muli %arg1, %mul3A : i32
    %add3A = arith.addi %mul3A_0, %arg0 : i32
    %mul3A_1 = arith.constant 512 : i32
    %mul3A_2 = arith.muli %add3A, %mul3A_1 : i32
    %dma_start3A = tpu.memref_slice %arg4[%mul3A_2] : memref<16384xi32, #tpu.memory_space<hbm>> -> memref<512xi32, #tpu.memory_space<hbm>>
    %dma_start3A_3 = tpu.memref_slice %arg4[%mul3A_2] : memref<16384xi32, #tpu.memory_space<hbm>> -> memref<512xi32, #tpu.memory_space<hbm>>
    tpu.enqueue_dma source(%dma_start3A_3 : memref<512xi32, #tpu.memory_space<hbm>>) target(%arg8 : memref<512xi32, #tpu.memory_space<vmem>>) target_semaphore(%arg16 : memref<!tpu.dma_semaphore, #tpu.memory_space<semaphore_mem>>)
    %dma_start3A_4 = tpu.memref_slice %arg5[%mul3A_2] : memref<16384xi32, #tpu.memory_space<hbm>> -> memref<512xi32, #tpu.memory_space<hbm>>
    %dma_start3A_5 = tpu.memref_slice %arg5[%mul3A_2] : memref<16384xi32, #tpu.memory_space<hbm>> -> memref<512xi32, #tpu.memory_space<hbm>>
    tpu.enqueue_dma source(%dma_start3A_5 : memref<512xi32, #tpu.memory_space<hbm>>) target(%arg9 : memref<512xi32, #tpu.memory_space<vmem>>) target_semaphore(%arg16 : memref<!tpu.dma_semaphore, #tpu.memory_space<semaphore_mem>>)
    %dma_wait3A = tpu.memref_slice %arg4[%mul3A_2] : memref<16384xi32, #tpu.memory_space<hbm>> -> memref<512xi32, #tpu.memory_space<hbm>>
    %dma_wait3A_6 = tpu.memref_slice %arg4[%mul3A_2] : memref<16384xi32, #tpu.memory_space<hbm>> -> memref<512xi32, #tpu.memory_space<hbm>>
    tpu.wait_dma2 semaphore(%arg16 : memref<!tpu.dma_semaphore, #tpu.memory_space<semaphore_mem>>) src(%dma_wait3A_6 : memref<512xi32, #tpu.memory_space<hbm>>) dst(%arg8 : memref<512xi32, #tpu.memory_space<vmem>>)
    %dma_wait3A_7 = tpu.memref_slice %arg5[%mul3A_2] : memref<16384xi32, #tpu.memory_space<hbm>> -> memref<512xi32, #tpu.memory_space<hbm>>
    %dma_wait3A_8 = tpu.memref_slice %arg5[%mul3A_2] : memref<16384xi32, #tpu.memory_space<hbm>> -> memref<512xi32, #tpu.memory_space<hbm>>
    tpu.wait_dma2 semaphore(%arg16 : memref<!tpu.dma_semaphore, #tpu.memory_space<semaphore_mem>>) src(%dma_wait3A_8 : memref<512xi32, #tpu.memory_space<hbm>>) dst(%arg9 : memref<512xi32, #tpu.memory_space<vmem>>)
    %dma_start3A_9 = arith.constant 0 : i32
    %dma_start3A_10 = tpu.memref_slice %arg8[%dma_start3A_9] : memref<512xi32, #tpu.memory_space<vmem>> -> memref<128xi32, #tpu.memory_space<vmem>>
    %dma_start3A_11 = arith.constant 0 : i32
    %dma_start3A_12 = arith.constant 0 : i32
    %dma_start3A_13 = tpu.memref_slice %arg2[%dma_start3A_11, %dma_start3A_12] : memref<32768x128xf32, #tpu.memory_space<hbm>> -> memref<32768x128xf32, #tpu.memory_space<hbm>>
    tpu.enqueue_indirect_dma source(%dma_start3A_13 : memref<32768x128xf32, #tpu.memory_space<hbm>>) target(%arg10 : memref<128x128xf32, #tpu.memory_space<vmem>>) offsets(%dma_start3A_10 : memref<128xi32, #tpu.memory_space<vmem>>) semaphore(%arg17 : memref<!tpu.dma_semaphore, #tpu.memory_space<semaphore_mem>>)
    %dma_start3A_14 = arith.constant 128 : i32
    %dma_start3A_15 = tpu.memref_slice %arg8[%dma_start3A_14] : memref<512xi32, #tpu.memory_space<vmem>> -> memref<128xi32, #tpu.memory_space<vmem>>
    %dma_start3A_16 = arith.constant 0 : i32
    %dma_start3A_17 = arith.constant 0 : i32
    %dma_start3A_18 = tpu.memref_slice %arg2[%dma_start3A_16, %dma_start3A_17] : memref<32768x128xf32, #tpu.memory_space<hbm>> -> memref<32768x128xf32, #tpu.memory_space<hbm>>
    tpu.enqueue_indirect_dma source(%dma_start3A_18 : memref<32768x128xf32, #tpu.memory_space<hbm>>) target(%arg11 : memref<128x128xf32, #tpu.memory_space<vmem>>) offsets(%dma_start3A_15 : memref<128xi32, #tpu.memory_space<vmem>>) semaphore(%arg18 : memref<!tpu.dma_semaphore, #tpu.memory_space<semaphore_mem>>)
    %dma_start3A_19 = arith.constant 256 : i32
    %dma_start3A_20 = tpu.memref_slice %arg8[%dma_start3A_19] : memref<512xi32, #tpu.memory_space<vmem>> -> memref<128xi32, #tpu.memory_space<vmem>>
    %dma_start3A_21 = arith.constant 0 : i32
    %dma_start3A_22 = arith.constant 0 : i32
    %dma_start3A_23 = tpu.memref_slice %arg2[%dma_start3A_21, %dma_start3A_22] : memref<32768x128xf32, #tpu.memory_space<hbm>> -> memref<32768x128xf32, #tpu.memory_space<hbm>>
    tpu.enqueue_indirect_dma source(%dma_start3A_23 : memref<32768x128xf32, #tpu.memory_space<hbm>>) target(%arg12 : memref<128x128xf32, #tpu.memory_space<vmem>>) offsets(%dma_start3A_20 : memref<128xi32, #tpu.memory_space<vmem>>) semaphore(%arg19 : memref<!tpu.dma_semaphore, #tpu.memory_space<semaphore_mem>>)
    %dma_start3A_24 = arith.constant 384 : i32
    %dma_start3A_25 = tpu.memref_slice %arg8[%dma_start3A_24] : memref<512xi32, #tpu.memory_space<vmem>> -> memref<128xi32, #tpu.memory_space<vmem>>
    %dma_start3A_26 = arith.constant 0 : i32
    %dma_start3A_27 = arith.constant 0 : i32
    %dma_start3A_28 = tpu.memref_slice %arg2[%dma_start3A_26, %dma_start3A_27] : memref<32768x128xf32, #tpu.memory_space<hbm>> -> memref<32768x128xf32, #tpu.memory_space<hbm>>
    tpu.enqueue_indirect_dma source(%dma_start3A_28 : memref<32768x128xf32, #tpu.memory_space<hbm>>) target(%arg13 : memref<128x128xf32, #tpu.memory_space<vmem>>) offsets(%dma_start3A_25 : memref<128xi32, #tpu.memory_space<vmem>>) semaphore(%arg20 : memref<!tpu.dma_semaphore, #tpu.memory_space<semaphore_mem>>)
    %dma_start3A_29 = arith.constant 0 : i32
    %dma_start3A_30 = tpu.memref_slice %arg9[%dma_start3A_29] : memref<512xi32, #tpu.memory_space<vmem>> -> memref<128xi32, #tpu.memory_space<vmem>>
    %dma_start3A_31 = arith.constant 0 : i32
    %dma_start3A_32 = arith.constant 0 : i32
    %dma_start3A_33 = tpu.memref_slice %arg3[%dma_start3A_31, %dma_start3A_32] : memref<5292x128xf32, #tpu.memory_space<hbm>> -> memref<5292x128xf32, #tpu.memory_space<hbm>>
    tpu.enqueue_indirect_dma source(%dma_start3A_33 : memref<5292x128xf32, #tpu.memory_space<hbm>>) target(%arg14 : memref<128x128xf32, #tpu.memory_space<vmem>>) offsets(%dma_start3A_30 : memref<128xi32, #tpu.memory_space<vmem>>) semaphore(%arg21 : memref<!tpu.dma_semaphore, #tpu.memory_space<semaphore_mem>>)
    %dma_start3A_34 = arith.constant 128 : i32
    %dma_start3A_35 = tpu.memref_slice %arg9[%dma_start3A_34] : memref<512xi32, #tpu.memory_space<vmem>> -> memref<128xi32, #tpu.memory_space<vmem>>
    %dma_start3A_36 = arith.constant 0 : i32
    %dma_start3A_37 = arith.constant 0 : i32
    %dma_start3A_38 = tpu.memref_slice %arg3[%dma_start3A_36, %dma_start3A_37] : memref<5292x128xf32, #tpu.memory_space<hbm>> -> memref<5292x128xf32, #tpu.memory_space<hbm>>
    tpu.enqueue_indirect_dma source(%dma_start3A_38 : memref<5292x128xf32, #tpu.memory_space<hbm>>) target(%arg15 : memref<128x128xf32, #tpu.memory_space<vmem>>) offsets(%dma_start3A_35 : memref<128xi32, #tpu.memory_space<vmem>>) semaphore(%arg22 : memref<!tpu.dma_semaphore, #tpu.memory_space<semaphore_mem>>)
    %dma_wait3A_39 = arith.constant 0 : i32
    %dma_wait3A_40 = tpu.memref_slice %arg8[%dma_wait3A_39] : memref<512xi32, #tpu.memory_space<vmem>> -> memref<128xi32, #tpu.memory_space<vmem>>
    %dma_wait3A_41 = arith.constant 0 : i32
    %dma_wait3A_42 = arith.constant 0 : i32
    %dma_wait3A_43 = tpu.memref_slice %arg2[%dma_wait3A_41, %dma_wait3A_42] : memref<32768x128xf32, #tpu.memory_space<hbm>> -> memref<32768x128xf32, #tpu.memory_space<hbm>>
    tpu.wait_indirect_dma semaphore(%arg17 : memref<!tpu.dma_semaphore, #tpu.memory_space<semaphore_mem>>) src(%dma_wait3A_43 : memref<32768x128xf32, #tpu.memory_space<hbm>>) dst(%arg10 : memref<128x128xf32, #tpu.memory_space<vmem>>)
    %add3A_44 = arith.constant 0 : i32
    %add3A_45 = arith.addi %mul3A_2, %add3A_44 : i32
    %dma_start3A_46 = arith.constant 0 : i32
    %dma_start3A_47 = tpu.memref_slice %arg6[%add3A_45, %dma_start3A_46] : memref<16384x128xf32, #tpu.memory_space<hbm>> -> memref<128x128xf32, #tpu.memory_space<hbm>>
    %dma_start3A_48 = arith.constant 0 : i32
    %dma_start3A_49 = tpu.memref_slice %arg6[%add3A_45, %dma_start3A_48] : memref<16384x128xf32, #tpu.memory_space<hbm>> -> memref<128x128xf32, #tpu.memory_space<hbm>>
    tpu.enqueue_dma source(%arg10 : memref<128x128xf32, #tpu.memory_space<vmem>>) target(%dma_start3A_49 : memref<128x128xf32, #tpu.memory_space<hbm>>) target_semaphore(%arg23 : memref<!tpu.dma_semaphore, #tpu.memory_space<semaphore_mem>>)
    %dma_wait3A_50 = arith.constant 0 : i32
    %dma_wait3A_51 = tpu.memref_slice %arg6[%add3A_45, %dma_wait3A_50] : memref<16384x128xf32, #tpu.memory_space<hbm>> -> memref<128x128xf32, #tpu.memory_space<hbm>>
    %dma_wait3A_52 = arith.constant 0 : i32
    %dma_wait3A_53 = tpu.memref_slice %arg6[%add3A_45, %dma_wait3A_52] : memref<16384x128xf32, #tpu.memory_space<hbm>> -> memref<128x128xf32, #tpu.memory_space<hbm>>
    tpu.wait_dma2 semaphore(%arg23 : memref<!tpu.dma_semaphore, #tpu.memory_space<semaphore_mem>>) src(%arg10 : memref<128x128xf32, #tpu.memory_space<vmem>>) dst(%dma_wait3A_53 : memref<128x128xf32, #tpu.memory_space<hbm>>)
    %dma_start3A_54 = arith.constant 256 : i32
    %dma_start3A_55 = tpu.memref_slice %arg9[%dma_start3A_54] : memref<512xi32, #tpu.memory_space<vmem>> -> memref<128xi32, #tpu.memory_space<vmem>>
    %dma_start3A_56 = arith.constant 0 : i32
    %dma_start3A_57 = arith.constant 0 : i32
    %dma_start3A_58 = tpu.memref_slice %arg3[%dma_start3A_56, %dma_start3A_57] : memref<5292x128xf32, #tpu.memory_space<hbm>> -> memref<5292x128xf32, #tpu.memory_space<hbm>>
    tpu.enqueue_indirect_dma source(%dma_start3A_58 : memref<5292x128xf32, #tpu.memory_space<hbm>>) target(%arg10 : memref<128x128xf32, #tpu.memory_space<vmem>>) offsets(%dma_start3A_55 : memref<128xi32, #tpu.memory_space<vmem>>) semaphore(%arg17 : memref<!tpu.dma_semaphore, #tpu.memory_space<semaphore_mem>>)
    %dma_wait3A_59 = arith.constant 128 : i32
    %dma_wait3A_60 = tpu.memref_slice %arg8[%dma_wait3A_59] : memref<512xi32, #tpu.memory_space<vmem>> -> memref<128xi32, #tpu.memory_space<vmem>>
    %dma_wait3A_61 = arith.constant 0 : i32
    %dma_wait3A_62 = arith.constant 0 : i32
    %dma_wait3A_63 = tpu.memref_slice %arg2[%dma_wait3A_61, %dma_wait3A_62] : memref<32768x128xf32, #tpu.memory_space<hbm>> -> memref<32768x128xf32, #tpu.memory_space<hbm>>
    tpu.wait_indirect_dma semaphore(%arg18 : memref<!tpu.dma_semaphore, #tpu.memory_space<semaphore_mem>>) src(%dma_wait3A_63 : memref<32768x128xf32, #tpu.memory_space<hbm>>) dst(%arg11 : memref<128x128xf32, #tpu.memory_space<vmem>>)
    %add3A_64 = arith.constant 128 : i32
    %add3A_65 = arith.addi %mul3A_2, %add3A_64 : i32
    %dma_start3A_66 = arith.constant 0 : i32
    %dma_start3A_67 = tpu.memref_slice %arg6[%add3A_65, %dma_start3A_66] : memref<16384x128xf32, #tpu.memory_space<hbm>> -> memref<128x128xf32, #tpu.memory_space<hbm>>
    %dma_start3A_68 = arith.constant 0 : i32
    %dma_start3A_69 = tpu.memref_slice %arg6[%add3A_65, %dma_start3A_68] : memref<16384x128xf32, #tpu.memory_space<hbm>> -> memref<128x128xf32, #tpu.memory_space<hbm>>
    tpu.enqueue_dma source(%arg11 : memref<128x128xf32, #tpu.memory_space<vmem>>) target(%dma_start3A_69 : memref<128x128xf32, #tpu.memory_space<hbm>>) target_semaphore(%arg24 : memref<!tpu.dma_semaphore, #tpu.memory_space<semaphore_mem>>)
    %dma_wait3A_70 = arith.constant 0 : i32
    %dma_wait3A_71 = tpu.memref_slice %arg6[%add3A_65, %dma_wait3A_70] : memref<16384x128xf32, #tpu.memory_space<hbm>> -> memref<128x128xf32, #tpu.memory_space<hbm>>
    %dma_wait3A_72 = arith.constant 0 : i32
    %dma_wait3A_73 = tpu.memref_slice %arg6[%add3A_65, %dma_wait3A_72] : memref<16384x128xf32, #tpu.memory_space<hbm>> -> memref<128x128xf32, #tpu.memory_space<hbm>>
    tpu.wait_dma2 semaphore(%arg24 : memref<!tpu.dma_semaphore, #tpu.memory_space<semaphore_mem>>) src(%arg11 : memref<128x128xf32, #tpu.memory_space<vmem>>) dst(%dma_wait3A_73 : memref<128x128xf32, #tpu.memory_space<hbm>>)
    %dma_start3A_74 = arith.constant 384 : i32
    %dma_start3A_75 = tpu.memref_slice %arg9[%dma_start3A_74] : memref<512xi32, #tpu.memory_space<vmem>> -> memref<128xi32, #tpu.memory_space<vmem>>
    %dma_start3A_76 = arith.constant 0 : i32
    %dma_start3A_77 = arith.constant 0 : i32
    %dma_start3A_78 = tpu.memref_slice %arg3[%dma_start3A_76, %dma_start3A_77] : memref<5292x128xf32, #tpu.memory_space<hbm>> -> memref<5292x128xf32, #tpu.memory_space<hbm>>
    tpu.enqueue_indirect_dma source(%dma_start3A_78 : memref<5292x128xf32, #tpu.memory_space<hbm>>) target(%arg11 : memref<128x128xf32, #tpu.memory_space<vmem>>) offsets(%dma_start3A_75 : memref<128xi32, #tpu.memory_space<vmem>>) semaphore(%arg18 : memref<!tpu.dma_semaphore, #tpu.memory_space<semaphore_mem>>)
    %dma_wait3A_79 = arith.constant 256 : i32
    %dma_wait3A_80 = tpu.memref_slice %arg8[%dma_wait3A_79] : memref<512xi32, #tpu.memory_space<vmem>> -> memref<128xi32, #tpu.memory_space<vmem>>
    %dma_wait3A_81 = arith.constant 0 : i32
    %dma_wait3A_82 = arith.constant 0 : i32
    %dma_wait3A_83 = tpu.memref_slice %arg2[%dma_wait3A_81, %dma_wait3A_82] : memref<32768x128xf32, #tpu.memory_space<hbm>> -> memref<32768x128xf32, #tpu.memory_space<hbm>>
    tpu.wait_indirect_dma semaphore(%arg19 : memref<!tpu.dma_semaphore, #tpu.memory_space<semaphore_mem>>) src(%dma_wait3A_83 : memref<32768x128xf32, #tpu.memory_space<hbm>>) dst(%arg12 : memref<128x128xf32, #tpu.memory_space<vmem>>)
    %add3A_84 = arith.constant 256 : i32
    %add3A_85 = arith.addi %mul3A_2, %add3A_84 : i32
    %dma_start3A_86 = arith.constant 0 : i32
    %dma_start3A_87 = tpu.memref_slice %arg6[%add3A_85, %dma_start3A_86] : memref<16384x128xf32, #tpu.memory_space<hbm>> -> memref<128x128xf32, #tpu.memory_space<hbm>>
    %dma_start3A_88 = arith.constant 0 : i32
    %dma_start3A_89 = tpu.memref_slice %arg6[%add3A_85, %dma_start3A_88] : memref<16384x128xf32, #tpu.memory_space<hbm>> -> memref<128x128xf32, #tpu.memory_space<hbm>>
    tpu.enqueue_dma source(%arg12 : memref<128x128xf32, #tpu.memory_space<vmem>>) target(%dma_start3A_89 : memref<128x128xf32, #tpu.memory_space<hbm>>) target_semaphore(%arg25 : memref<!tpu.dma_semaphore, #tpu.memory_space<semaphore_mem>>)
    %dma_wait3A_90 = arith.constant 384 : i32
    %dma_wait3A_91 = tpu.memref_slice %arg8[%dma_wait3A_90] : memref<512xi32, #tpu.memory_space<vmem>> -> memref<128xi32, #tpu.memory_space<vmem>>
    %dma_wait3A_92 = arith.constant 0 : i32
    %dma_wait3A_93 = arith.constant 0 : i32
    %dma_wait3A_94 = tpu.memref_slice %arg2[%dma_wait3A_92, %dma_wait3A_93] : memref<32768x128xf32, #tpu.memory_space<hbm>> -> memref<32768x128xf32, #tpu.memory_space<hbm>>
    tpu.wait_indirect_dma semaphore(%arg20 : memref<!tpu.dma_semaphore, #tpu.memory_space<semaphore_mem>>) src(%dma_wait3A_94 : memref<32768x128xf32, #tpu.memory_space<hbm>>) dst(%arg13 : memref<128x128xf32, #tpu.memory_space<vmem>>)
    %add3A_95 = arith.constant 384 : i32
    %add3A_96 = arith.addi %mul3A_2, %add3A_95 : i32
    %dma_start3A_97 = arith.constant 0 : i32
    %dma_start3A_98 = tpu.memref_slice %arg6[%add3A_96, %dma_start3A_97] : memref<16384x128xf32, #tpu.memory_space<hbm>> -> memref<128x128xf32, #tpu.memory_space<hbm>>
    %dma_start3A_99 = arith.constant 0 : i32
    %dma_start3A_100 = tpu.memref_slice %arg6[%add3A_96, %dma_start3A_99] : memref<16384x128xf32, #tpu.memory_space<hbm>> -> memref<128x128xf32, #tpu.memory_space<hbm>>
    tpu.enqueue_dma source(%arg13 : memref<128x128xf32, #tpu.memory_space<vmem>>) target(%dma_start3A_100 : memref<128x128xf32, #tpu.memory_space<hbm>>) target_semaphore(%arg26 : memref<!tpu.dma_semaphore, #tpu.memory_space<semaphore_mem>>)
    %dma_wait3A_101 = arith.constant 0 : i32
    %dma_wait3A_102 = tpu.memref_slice %arg9[%dma_wait3A_101] : memref<512xi32, #tpu.memory_space<vmem>> -> memref<128xi32, #tpu.memory_space<vmem>>
    %dma_wait3A_103 = arith.constant 0 : i32
    %dma_wait3A_104 = arith.constant 0 : i32
    %dma_wait3A_105 = tpu.memref_slice %arg3[%dma_wait3A_103, %dma_wait3A_104] : memref<5292x128xf32, #tpu.memory_space<hbm>> -> memref<5292x128xf32, #tpu.memory_space<hbm>>
    tpu.wait_indirect_dma semaphore(%arg21 : memref<!tpu.dma_semaphore, #tpu.memory_space<semaphore_mem>>) src(%dma_wait3A_105 : memref<5292x128xf32, #tpu.memory_space<hbm>>) dst(%arg14 : memref<128x128xf32, #tpu.memory_space<vmem>>)
    %add3A_106 = arith.constant 0 : i32
    %add3A_107 = arith.addi %mul3A_2, %add3A_106 : i32
    %dma_start3A_108 = arith.constant 0 : i32
    %dma_start3A_109 = tpu.memref_slice %arg7[%add3A_107, %dma_start3A_108] : memref<16384x128xf32, #tpu.memory_space<hbm>> -> memref<128x128xf32, #tpu.memory_space<hbm>>
    %dma_start3A_110 = arith.constant 0 : i32
    %dma_start3A_111 = tpu.memref_slice %arg7[%add3A_107, %dma_start3A_110] : memref<16384x128xf32, #tpu.memory_space<hbm>> -> memref<128x128xf32, #tpu.memory_space<hbm>>
    tpu.enqueue_dma source(%arg14 : memref<128x128xf32, #tpu.memory_space<vmem>>) target(%dma_start3A_111 : memref<128x128xf32, #tpu.memory_space<hbm>>) target_semaphore(%arg27 : memref<!tpu.dma_semaphore, #tpu.memory_space<semaphore_mem>>)
    %dma_wait3A_112 = arith.constant 128 : i32
    %dma_wait3A_113 = tpu.memref_slice %arg9[%dma_wait3A_112] : memref<512xi32, #tpu.memory_space<vmem>> -> memref<128xi32, #tpu.memory_space<vmem>>
    %dma_wait3A_114 = arith.constant 0 : i32
    %dma_wait3A_115 = arith.constant 0 : i32
    %dma_wait3A_116 = tpu.memref_slice %arg3[%dma_wait3A_114, %dma_wait3A_115] : memref<5292x128xf32, #tpu.memory_space<hbm>> -> memref<5292x128xf32, #tpu.memory_space<hbm>>
    tpu.wait_indirect_dma semaphore(%arg22 : memref<!tpu.dma_semaphore, #tpu.memory_space<semaphore_mem>>) src(%dma_wait3A_116 : memref<5292x128xf32, #tpu.memory_space<hbm>>) dst(%arg15 : memref<128x128xf32, #tpu.memory_space<vmem>>)
    %add3A_117 = arith.constant 128 : i32
    %add3A_118 = arith.addi %mul3A_2, %add3A_117 : i32
    %dma_start3A_119 = arith.constant 0 : i32
    %dma_start3A_120 = tpu.memref_slice %arg7[%add3A_118, %dma_start3A_119] : memref<16384x128xf32, #tpu.memory_space<hbm>> -> memref<128x128xf32, #tpu.memory_space<hbm>>
    %dma_start3A_121 = arith.constant 0 : i32
    %dma_start3A_122 = tpu.memref_slice %arg7[%add3A_118, %dma_start3A_121] : memref<16384x128xf32, #tpu.memory_space<hbm>> -> memref<128x128xf32, #tpu.memory_space<hbm>>
    tpu.enqueue_dma source(%arg15 : memref<128x128xf32, #tpu.memory_space<vmem>>) target(%dma_start3A_122 : memref<128x128xf32, #tpu.memory_space<hbm>>) target_semaphore(%arg28 : memref<!tpu.dma_semaphore, #tpu.memory_space<semaphore_mem>>)
    %dma_wait3A_123 = arith.constant 256 : i32
    %dma_wait3A_124 = tpu.memref_slice %arg9[%dma_wait3A_123] : memref<512xi32, #tpu.memory_space<vmem>> -> memref<128xi32, #tpu.memory_space<vmem>>
    %dma_wait3A_125 = arith.constant 0 : i32
    %dma_wait3A_126 = arith.constant 0 : i32
    %dma_wait3A_127 = tpu.memref_slice %arg3[%dma_wait3A_125, %dma_wait3A_126] : memref<5292x128xf32, #tpu.memory_space<hbm>> -> memref<5292x128xf32, #tpu.memory_space<hbm>>
    tpu.wait_indirect_dma semaphore(%arg17 : memref<!tpu.dma_semaphore, #tpu.memory_space<semaphore_mem>>) src(%dma_wait3A_127 : memref<5292x128xf32, #tpu.memory_space<hbm>>) dst(%arg10 : memref<128x128xf32, #tpu.memory_space<vmem>>)
    %add3A_128 = arith.constant 256 : i32
    %add3A_129 = arith.addi %mul3A_2, %add3A_128 : i32
    %dma_start3A_130 = arith.constant 0 : i32
    %dma_start3A_131 = tpu.memref_slice %arg7[%add3A_129, %dma_start3A_130] : memref<16384x128xf32, #tpu.memory_space<hbm>> -> memref<128x128xf32, #tpu.memory_space<hbm>>
    %dma_start3A_132 = arith.constant 0 : i32
    %dma_start3A_133 = tpu.memref_slice %arg7[%add3A_129, %dma_start3A_132] : memref<16384x128xf32, #tpu.memory_space<hbm>> -> memref<128x128xf32, #tpu.memory_space<hbm>>
    tpu.enqueue_dma source(%arg10 : memref<128x128xf32, #tpu.memory_space<vmem>>) target(%dma_start3A_133 : memref<128x128xf32, #tpu.memory_space<hbm>>) target_semaphore(%arg23 : memref<!tpu.dma_semaphore, #tpu.memory_space<semaphore_mem>>)
    %dma_wait3A_134 = arith.constant 384 : i32
    %dma_wait3A_135 = tpu.memref_slice %arg9[%dma_wait3A_134] : memref<512xi32, #tpu.memory_space<vmem>> -> memref<128xi32, #tpu.memory_space<vmem>>
    %dma_wait3A_136 = arith.constant 0 : i32
    %dma_wait3A_137 = arith.constant 0 : i32
    %dma_wait3A_138 = tpu.memref_slice %arg3[%dma_wait3A_136, %dma_wait3A_137] : memref<5292x128xf32, #tpu.memory_space<hbm>> -> memref<5292x128xf32, #tpu.memory_space<hbm>>
    tpu.wait_indirect_dma semaphore(%arg18 : memref<!tpu.dma_semaphore, #tpu.memory_space<semaphore_mem>>) src(%dma_wait3A_138 : memref<5292x128xf32, #tpu.memory_space<hbm>>) dst(%arg11 : memref<128x128xf32, #tpu.memory_space<vmem>>)
    %add3A_139 = arith.constant 384 : i32
    %add3A_140 = arith.addi %mul3A_2, %add3A_139 : i32
    %dma_start3A_141 = arith.constant 0 : i32
    %dma_start3A_142 = tpu.memref_slice %arg7[%add3A_140, %dma_start3A_141] : memref<16384x128xf32, #tpu.memory_space<hbm>> -> memref<128x128xf32, #tpu.memory_space<hbm>>
    %dma_start3A_143 = arith.constant 0 : i32
    %dma_start3A_144 = tpu.memref_slice %arg7[%add3A_140, %dma_start3A_143] : memref<16384x128xf32, #tpu.memory_space<hbm>> -> memref<128x128xf32, #tpu.memory_space<hbm>>
    tpu.enqueue_dma source(%arg11 : memref<128x128xf32, #tpu.memory_space<vmem>>) target(%dma_start3A_144 : memref<128x128xf32, #tpu.memory_space<hbm>>) target_semaphore(%arg24 : memref<!tpu.dma_semaphore, #tpu.memory_space<semaphore_mem>>)
    %dma_wait3A_145 = arith.constant 0 : i32
    %dma_wait3A_146 = tpu.memref_slice %arg7[%add3A_129, %dma_wait3A_145] : memref<16384x128xf32, #tpu.memory_space<hbm>> -> memref<128x128xf32, #tpu.memory_space<hbm>>
    %dma_wait3A_147 = arith.constant 0 : i32
    %dma_wait3A_148 = tpu.memref_slice %arg7[%add3A_129, %dma_wait3A_147] : memref<16384x128xf32, #tpu.memory_space<hbm>> -> memref<128x128xf32, #tpu.memory_space<hbm>>
    tpu.wait_dma2 semaphore(%arg23 : memref<!tpu.dma_semaphore, #tpu.memory_space<semaphore_mem>>) src(%arg10 : memref<128x128xf32, #tpu.memory_space<vmem>>) dst(%dma_wait3A_148 : memref<128x128xf32, #tpu.memory_space<hbm>>)
    %dma_wait3A_149 = arith.constant 0 : i32
    %dma_wait3A_150 = tpu.memref_slice %arg7[%add3A_140, %dma_wait3A_149] : memref<16384x128xf32, #tpu.memory_space<hbm>> -> memref<128x128xf32, #tpu.memory_space<hbm>>
    %dma_wait3A_151 = arith.constant 0 : i32
    %dma_wait3A_152 = tpu.memref_slice %arg7[%add3A_140, %dma_wait3A_151] : memref<16384x128xf32, #tpu.memory_space<hbm>> -> memref<128x128xf32, #tpu.memory_space<hbm>>
    tpu.wait_dma2 semaphore(%arg24 : memref<!tpu.dma_semaphore, #tpu.memory_space<semaphore_mem>>) src(%arg11 : memref<128x128xf32, #tpu.memory_space<vmem>>) dst(%dma_wait3A_152 : memref<128x128xf32, #tpu.memory_space<hbm>>)
    %dma_wait3A_153 = arith.constant 0 : i32
    %dma_wait3A_154 = tpu.memref_slice %arg6[%add3A_85, %dma_wait3A_153] : memref<16384x128xf32, #tpu.memory_space<hbm>> -> memref<128x128xf32, #tpu.memory_space<hbm>>
    %dma_wait3A_155 = arith.constant 0 : i32
    %dma_wait3A_156 = tpu.memref_slice %arg6[%add3A_85, %dma_wait3A_155] : memref<16384x128xf32, #tpu.memory_space<hbm>> -> memref<128x128xf32, #tpu.memory_space<hbm>>
    tpu.wait_dma2 semaphore(%arg25 : memref<!tpu.dma_semaphore, #tpu.memory_space<semaphore_mem>>) src(%arg12 : memref<128x128xf32, #tpu.memory_space<vmem>>) dst(%dma_wait3A_156 : memref<128x128xf32, #tpu.memory_space<hbm>>)
    %dma_wait3A_157 = arith.constant 0 : i32
    %dma_wait3A_158 = tpu.memref_slice %arg6[%add3A_96, %dma_wait3A_157] : memref<16384x128xf32, #tpu.memory_space<hbm>> -> memref<128x128xf32, #tpu.memory_space<hbm>>
    %dma_wait3A_159 = arith.constant 0 : i32
    %dma_wait3A_160 = tpu.memref_slice %arg6[%add3A_96, %dma_wait3A_159] : memref<16384x128xf32, #tpu.memory_space<hbm>> -> memref<128x128xf32, #tpu.memory_space<hbm>>
    tpu.wait_dma2 semaphore(%arg26 : memref<!tpu.dma_semaphore, #tpu.memory_space<semaphore_mem>>) src(%arg13 : memref<128x128xf32, #tpu.memory_space<vmem>>) dst(%dma_wait3A_160 : memref<128x128xf32, #tpu.memory_space<hbm>>)
    %dma_wait3A_161 = arith.constant 0 : i32
    %dma_wait3A_162 = tpu.memref_slice %arg7[%add3A_107, %dma_wait3A_161] : memref<16384x128xf32, #tpu.memory_space<hbm>> -> memref<128x128xf32, #tpu.memory_space<hbm>>
    %dma_wait3A_163 = arith.constant 0 : i32
    %dma_wait3A_164 = tpu.memref_slice %arg7[%add3A_107, %dma_wait3A_163] : memref<16384x128xf32, #tpu.memory_space<hbm>> -> memref<128x128xf32, #tpu.memory_space<hbm>>
    tpu.wait_dma2 semaphore(%arg27 : memref<!tpu.dma_semaphore, #tpu.memory_space<semaphore_mem>>) src(%arg14 : memref<128x128xf32, #tpu.memory_space<vmem>>) dst(%dma_wait3A_164 : memref<128x128xf32, #tpu.memory_space<hbm>>)
    %dma_wait3A_165 = arith.constant 0 : i32
    %dma_wait3A_166 = tpu.memref_slice %arg7[%add3A_118, %dma_wait3A_165] : memref<16384x128xf32, #tpu.memory_space<hbm>> -> memref<128x128xf32, #tpu.memory_space<hbm>>
    %dma_wait3A_167 = arith.constant 0 : i32
    %dma_wait3A_168 = tpu.memref_slice %arg7[%add3A_118, %dma_wait3A_167] : memref<16384x128xf32, #tpu.memory_space<hbm>> -> memref<128x128xf32, #tpu.memory_space<hbm>>
    tpu.wait_dma2 semaphore(%arg28 : memref<!tpu.dma_semaphore, #tpu.memory_space<semaphore_mem>>) src(%arg15 : memref<128x128xf32, #tpu.memory_space<vmem>>) dst(%dma_wait3A_168 : memref<128x128xf32, #tpu.memory_space<hbm>>)
    return
  }
}

module attributes {stable_mosaic.version = 14 : i64} {
  func.func @body(%arg0: i32, %arg1: memref<32x16384xf32, #tpu.memory_space<vmem>>, %arg2: memref<32x16384xf32, #tpu.memory_space<vmem>>, %arg3: memref<32x16384xf32, #tpu.memory_space<vmem>>, %arg4: memref<32x16384xf32, #tpu.memory_space<vmem>>, %arg5: memref<16384x128xf32, #tpu.memory_space<vmem>>) attributes {dimension_semantics = [#tpu.dimension_semantics<arbitrary>], iteration_bounds = array<i64: 2>, scalar_prefetch = 0 : i64, scratch_operands = 0 : i64, tpu.core_type = #tpu.core_type<tc>, window_params = [{transform_indices = @transform_0, window_bounds = array<i64: 32, 16384>}, {transform_indices = @transform_1, window_bounds = array<i64: 32, 16384>}, {transform_indices = @transform_2, window_bounds = array<i64: 32, 16384>}, {transform_indices = @transform_3, window_bounds = array<i64: 32, 16384>}, {transform_indices = @transform_4, window_bounds = array<i64: 16384, 128>}]} {
    %get3A = arith.constant 0 : index
    %get3A_0 = arith.constant 0 : index
    %get3A_1 = vector.load %arg1[%get3A, %get3A_0] : memref<32x16384xf32, #tpu.memory_space<vmem>>, vector<32x16384xf32>
    %get3A_2 = arith.constant 0 : index
    %get3A_3 = arith.constant 0 : index
    %get3A_4 = vector.load %arg2[%get3A_2, %get3A_3] : memref<32x16384xf32, #tpu.memory_space<vmem>>, vector<32x16384xf32>
    %get3A_5 = arith.constant 0 : index
    %get3A_6 = arith.constant 0 : index
    %get3A_7 = vector.load %arg3[%get3A_5, %get3A_6] : memref<32x16384xf32, #tpu.memory_space<vmem>>, vector<32x16384xf32>
    %get3A_8 = arith.constant 0 : index
    %get3A_9 = arith.constant 0 : index
    %get3A_10 = vector.load %arg4[%get3A_8, %get3A_9] : memref<32x16384xf32, #tpu.memory_space<vmem>>, vector<32x16384xf32>
    %concatenate3A = tpu.concatenate %get3A_1, %get3A_4, %get3A_7, %get3A_10 in 0 : vector<32x16384xf32>, vector<32x16384xf32>, vector<32x16384xf32>, vector<32x16384xf32> -> vector<128x16384xf32>
    %transpose3A = tpu.transpose %concatenate3A, [1, 0] : vector<128x16384xf32> -> vector<16384x128xf32>
    %swap3A = arith.constant 0 : index
    %swap3A_11 = arith.constant 0 : index
    %swap3A_12 = vector.load %arg5[%swap3A, %swap3A_11] : memref<16384x128xf32, #tpu.memory_space<vmem>>, vector<16384x128xf32>
    tpu.vector_store %arg5[%swap3A, %swap3A_11], %transpose3A {strides = array<i32>} : memref<16384x128xf32, #tpu.memory_space<vmem>>, vector<16384x128xf32>,
    return
  }
  func.func @transform_0(%arg0: i32) -> (i32, i32) {
    %add3A = arith.constant 0 : i32
    %add3A_0 = arith.addi %add3A, %arg0 : i32
    %min3A = arith.constant 6 : i32
    %min3A_1 = arith.minsi %add3A_0, %min3A : i32
    %c0_i32 = arith.constant 0 : i32
    %c0_i32_2 = arith.constant 0 : i32
    return %c0_i32, %min3A_1 : i32, i32
  }
  func.func @transform_1(%arg0: i32) -> (i32, i32) {
    %add3A = arith.constant 2 : i32
    %add3A_0 = arith.addi %add3A, %arg0 : i32
    %min3A = arith.constant 6 : i32
    %min3A_1 = arith.minsi %add3A_0, %min3A : i32
    %c0_i32 = arith.constant 0 : i32
    %c0_i32_2 = arith.constant 0 : i32
    return %c0_i32, %min3A_1 : i32, i32
  }
  func.func @transform_2(%arg0: i32) -> (i32, i32) {
    %add3A = arith.constant 4 : i32
    %add3A_0 = arith.addi %add3A, %arg0 : i32
    %min3A = arith.constant 6 : i32
    %min3A_1 = arith.minsi %add3A_0, %min3A : i32
    %c0_i32 = arith.constant 0 : i32
    %c0_i32_2 = arith.constant 0 : i32
    return %c0_i32, %min3A_1 : i32, i32
  }
  func.func @transform_3(%arg0: i32) -> (i32, i32) {
    %add3A = arith.constant 6 : i32
    %add3A_0 = arith.addi %add3A, %arg0 : i32
    %min3A = arith.constant 6 : i32
    %min3A_1 = arith.minsi %add3A_0, %min3A : i32
    %c0_i32 = arith.constant 0 : i32
    %c0_i32_2 = arith.constant 0 : i32
    return %c0_i32, %min3A_1 : i32, i32
  }
  func.func @transform_4(%arg0: i32) -> (i32, i32) {
    %c0_i32 = arith.constant 0 : i32
    %c0_i32_0 = arith.constant 0 : i32
    return %arg0, %c0_i32 : i32, i32
  }
}

module attributes {stable_mosaic.version = 14 : i64} {
  func.func @body(%arg0: i32, %arg1: memref<32x16384xf32, #tpu.memory_space<vmem>>, %arg2: memref<32x16384xf32, #tpu.memory_space<vmem>>, %arg3: memref<32x16384xf32, #tpu.memory_space<vmem>>, %arg4: memref<32x16384xf32, #tpu.memory_space<vmem>>, %arg5: memref<16384x128xf32, #tpu.memory_space<vmem>>) attributes {dimension_semantics = [#tpu.dimension_semantics<arbitrary>], iteration_bounds = array<i64: 16>, scalar_prefetch = 0 : i64, scratch_operands = 0 : i64, tpu.core_type = #tpu.core_type<tc>, window_params = [{transform_indices = @transform_0, window_bounds = array<i64: 32, 16384>}, {transform_indices = @transform_1, window_bounds = array<i64: 32, 16384>}, {transform_indices = @transform_2, window_bounds = array<i64: 32, 16384>}, {transform_indices = @transform_3, window_bounds = array<i64: 32, 16384>}, {transform_indices = @transform_4, window_bounds = array<i64: 16384, 128>}]} {
    %get3A = arith.constant 0 : index
    %get3A_0 = arith.constant 0 : index
    %get3A_1 = vector.load %arg1[%get3A, %get3A_0] : memref<32x16384xf32, #tpu.memory_space<vmem>>, vector<32x16384xf32>
    %get3A_2 = arith.constant 0 : index
    %get3A_3 = arith.constant 0 : index
    %get3A_4 = vector.load %arg2[%get3A_2, %get3A_3] : memref<32x16384xf32, #tpu.memory_space<vmem>>, vector<32x16384xf32>
    %get3A_5 = arith.constant 0 : index
    %get3A_6 = arith.constant 0 : index
    %get3A_7 = vector.load %arg3[%get3A_5, %get3A_6] : memref<32x16384xf32, #tpu.memory_space<vmem>>, vector<32x16384xf32>
    %get3A_8 = arith.constant 0 : index
    %get3A_9 = arith.constant 0 : index
    %get3A_10 = vector.load %arg4[%get3A_8, %get3A_9] : memref<32x16384xf32, #tpu.memory_space<vmem>>, vector<32x16384xf32>
    %concatenate3A = tpu.concatenate %get3A_1, %get3A_4, %get3A_7, %get3A_10 in 0 : vector<32x16384xf32>, vector<32x16384xf32>, vector<32x16384xf32>, vector<32x16384xf32> -> vector<128x16384xf32>
    %transpose3A = tpu.transpose %concatenate3A, [1, 0] : vector<128x16384xf32> -> vector<16384x128xf32>
    %swap3A = arith.constant 0 : index
    %swap3A_11 = arith.constant 0 : index
    %swap3A_12 = vector.load %arg5[%swap3A, %swap3A_11] : memref<16384x128xf32, #tpu.memory_space<vmem>>, vector<16384x128xf32>
    tpu.vector_store %arg5[%swap3A, %swap3A_11], %transpose3A {strides = array<i32>} : memref<16384x128xf32, #tpu.memory_space<vmem>>, vector<16384x128xf32>,
    return
  }
  func.func @transform_0(%arg0: i32) -> (i32, i32) {
    %add3A = arith.constant 0 : i32
    %add3A_0 = arith.addi %add3A, %arg0 : i32
    %min3A = arith.constant 61 : i32
    %min3A_1 = arith.minsi %add3A_0, %min3A : i32
    %c0_i32 = arith.constant 0 : i32
    %c0_i32_2 = arith.constant 0 : i32
    return %c0_i32, %min3A_1 : i32, i32
  }
  func.func @transform_1(%arg0: i32) -> (i32, i32) {
    %add3A = arith.constant 16 : i32
    %add3A_0 = arith.addi %add3A, %arg0 : i32
    %min3A = arith.constant 61 : i32
    %min3A_1 = arith.minsi %add3A_0, %min3A : i32
    %c0_i32 = arith.constant 0 : i32
    %c0_i32_2 = arith.constant 0 : i32
    return %c0_i32, %min3A_1 : i32, i32
  }
  func.func @transform_2(%arg0: i32) -> (i32, i32) {
    %add3A = arith.constant 32 : i32
    %add3A_0 = arith.addi %add3A, %arg0 : i32
    %min3A = arith.constant 61 : i32
    %min3A_1 = arith.minsi %add3A_0, %min3A : i32
    %c0_i32 = arith.constant 0 : i32
    %c0_i32_2 = arith.constant 0 : i32
    return %c0_i32, %min3A_1 : i32, i32
  }
  func.func @transform_3(%arg0: i32) -> (i32, i32) {
    %add3A = arith.constant 48 : i32
    %add3A_0 = arith.addi %add3A, %arg0 : i32
    %min3A = arith.constant 61 : i32
    %min3A_1 = arith.minsi %add3A_0, %min3A : i32
    %c0_i32 = arith.constant 0 : i32
    %c0_i32_2 = arith.constant 0 : i32
    return %c0_i32, %min3A_1 : i32, i32
  }
  func.func @transform_4(%arg0: i32) -> (i32, i32) {
    %c0_i32 = arith.constant 0 : i32
    %c0_i32_0 = arith.constant 0 : i32
    return %arg0, %c0_i32 : i32, i32
  }
}

module attributes {stable_mosaic.version = 14 : i64} {
  func.func @body(%arg0: i32, %arg1: memref<4096x128xf32, #tpu.memory_space<vmem>>, %arg2: memref<4096x128xf32, #tpu.memory_space<vmem>>, %arg3: memref<4096x128xf32, #tpu.memory_space<vmem>>, %arg4: memref<4096xi32, #tpu.memory_space<vmem>>, %arg5: memref<4096xi32, #tpu.memory_space<vmem>>, %arg6: memref<192x1xf32, #tpu.memory_space<vmem>>, %arg7: memref<1xf32, #tpu.memory_space<vmem>>, %arg8: memref<192x128xf32, #tpu.memory_space<vmem>>, %arg9: memref<128xf32, #tpu.memory_space<vmem>>, %arg10: memref<128x64xf32, #tpu.memory_space<vmem>>, %arg11: memref<64xf32, #tpu.memory_space<vmem>>, %arg12: memref<64x32xf32, #tpu.memory_space<vmem>>, %arg13: memref<32xf32, #tpu.memory_space<vmem>>, %arg14: memref<33x1xf32, #tpu.memory_space<vmem>>, %arg15: memref<1xf32, #tpu.memory_space<vmem>>, %arg16: memref<4096x1xf32, #tpu.memory_space<vmem>>) attributes {dimension_semantics = [#tpu.dimension_semantics<arbitrary>], iteration_bounds = array<i64: 4>, scalar_prefetch = 0 : i64, scratch_operands = 0 : i64, tpu.core_type = #tpu.core_type<tc>, window_params = [{transform_indices = @transform_0, window_bounds = array<i64: 4096, 128>}, {transform_indices = @transform_1, window_bounds = array<i64: 4096, 128>}, {transform_indices = @transform_2, window_bounds = array<i64: 4096, 128>}, {transform_indices = @transform_3, window_bounds = array<i64: 4096>}, {transform_indices = @transform_4, window_bounds = array<i64: 4096>}, {pipeline_mode = #tpu.pipeline_mode<synchronous>, transform_indices = @transform_5, window_bounds = array<i64: 192, 1>}, {pipeline_mode = #tpu.pipeline_mode<synchronous>, transform_indices = @transform_6, window_bounds = array<i64: 1>}, {pipeline_mode = #tpu.pipeline_mode<synchronous>, transform_indices = @transform_7, window_bounds = array<i64: 192, 128>}, {pipeline_mode = #tpu.pipeline_mode<synchronous>, transform_indices = @transform_8, window_bounds = array<i64: 128>}, {pipeline_mode = #tpu.pipeline_mode<synchronous>, transform_indices = @transform_9, window_bounds = array<i64: 128, 64>}, {pipeline_mode = #tpu.pipeline_mode<synchronous>, transform_indices = @transform_10, window_bounds = array<i64: 64>}, {pipeline_mode = #tpu.pipeline_mode<synchronous>, transform_indices = @transform_11, window_bounds = array<i64: 64, 32>}, {pipeline_mode = #tpu.pipeline_mode<synchronous>, transform_indices = @transform_12, window_bounds = array<i64: 32>}, {pipeline_mode = #tpu.pipeline_mode<synchronous>, transform_indices = @transform_13, window_bounds = array<i64: 33, 1>}, {pipeline_mode = #tpu.pipeline_mode<synchronous>, transform_indices = @transform_14, window_bounds = array<i64: 1>}, {transform_indices = @transform_15, window_bounds = array<i64: 4096, 1>}]} {
    %get3A = arith.constant 0 : index
    %get3A_0 = arith.constant 0 : index
    %get3A_1 = vector.load %arg1[%get3A, %get3A_0] : memref<4096x128xf32, #tpu.memory_space<vmem>>, vector<4096x128xf32>
    %get3A_2 = arith.constant 0 : index
    %get3A_3 = arith.constant 0 : index
    %get3A_4 = vector.load %arg2[%get3A_2, %get3A_3] : memref<4096x128xf32, #tpu.memory_space<vmem>>, vector<4096x128xf32>
    %get3A_5 = arith.constant 0 : index
    %get3A_6 = vector.load %arg4[%get3A_5] : memref<4096xi32, #tpu.memory_space<vmem>>, vector<4096xi32>
    %broadcast_in_dim3A = vector.shape_cast %get3A_6 : vector<4096xi32> to vector<4096x1xi32>
    %get3A_7 = arith.constant 0 : index
    %get3A_8 = vector.load %arg5[%get3A_7] : memref<4096xi32, #tpu.memory_space<vmem>>, vector<4096xi32>
    %broadcast_in_dim3A_9 = vector.shape_cast %get3A_8 : vector<4096xi32> to vector<4096x1xi32>
    %broadcast_in_dim3A_10 = arith.constant 0.000000e+00 : f32
    %broadcast_in_dim3A_11 = vector.broadcast %broadcast_in_dim3A_10 : f32 to vector<4096x32xf32>
    %broadcast_in_dim3A_12 = arith.constant 0.000000e+00 : f32
    %broadcast_in_dim3A_13 = vector.broadcast %broadcast_in_dim3A_12 : f32 to vector<4096x32xf32>
    %eq3A = arith.constant 0 : i32
    %eq3A_14 = vector.broadcast %eq3A : i32 to vector<4096x1xi32>
    %eq3A_15 = arith.cmpi eq, %broadcast_in_dim3A, %eq3A_14 : vector<4096x1xi32>
    %slice3A = vector.extract_strided_slice %get3A_1 {offsets = [0, 0], sizes = [4096, 32], strides = [1, 1]} : vector<4096x128xf32> to vector<4096x32xf32>
    %jit3A = arith.constant 0.000000e+00 : f32
    %broadcast_in_dim3A_16 = vector.shape_cast %eq3A_15 : vector<4096x1xi1> to vector<4096x1xi1>
    %broadcast_in_dim3A_17 = vector.broadcast %broadcast_in_dim3A_16 : vector<4096x1xi1> to vector<4096x32xi1>
    %broadcast_in_dim3A_18 = vector.broadcast %jit3A : f32 to vector<4096x32xf32>
    %select_n3A = arith.select %broadcast_in_dim3A_17, %slice3A, %broadcast_in_dim3A_18 : vector<4096x32xi1>, vector<4096x32xf32>
    %add3A = arith.addf %broadcast_in_dim3A_11, %select_n3A : vector<4096x32xf32>
    %eq3A_19 = arith.constant 0 : i32
    %eq3A_20 = vector.broadcast %eq3A_19 : i32 to vector<4096x1xi32>
    %eq3A_21 = arith.cmpi eq, %broadcast_in_dim3A_9, %eq3A_20 : vector<4096x1xi32>
    %slice3A_22 = vector.extract_strided_slice %get3A_4 {offsets = [0, 0], sizes = [4096, 32], strides = [1, 1]} : vector<4096x128xf32> to vector<4096x32xf32>
    %jit3A_23 = arith.constant 0.000000e+00 : f32
    %broadcast_in_dim3A_24 = vector.shape_cast %eq3A_21 : vector<4096x1xi1> to vector<4096x1xi1>
    %broadcast_in_dim3A_25 = vector.broadcast %broadcast_in_dim3A_24 : vector<4096x1xi1> to vector<4096x32xi1>
    %broadcast_in_dim3A_26 = vector.broadcast %jit3A_23 : f32 to vector<4096x32xf32>
    %select_n3A_27 = arith.select %broadcast_in_dim3A_25, %slice3A_22, %broadcast_in_dim3A_26 : vector<4096x32xi1>, vector<4096x32xf32>
    %add3A_28 = arith.addf %broadcast_in_dim3A_13, %select_n3A_27 : vector<4096x32xf32>
    %eq3A_29 = arith.constant 1 : i32
    %eq3A_30 = vector.broadcast %eq3A_29 : i32 to vector<4096x1xi32>
    %eq3A_31 = arith.cmpi eq, %broadcast_in_dim3A, %eq3A_30 : vector<4096x1xi32>
    %slice3A_32 = vector.extract_strided_slice %get3A_1 {offsets = [0, 32], sizes = [4096, 32], strides = [1, 1]} : vector<4096x128xf32> to vector<4096x32xf32>
    %jit3A_33 = arith.constant 0.000000e+00 : f32
    %broadcast_in_dim3A_34 = vector.shape_cast %eq3A_31 : vector<4096x1xi1> to vector<4096x1xi1>
    %broadcast_in_dim3A_35 = vector.broadcast %broadcast_in_dim3A_34 : vector<4096x1xi1> to vector<4096x32xi1>
    %broadcast_in_dim3A_36 = vector.broadcast %jit3A_33 : f32 to vector<4096x32xf32>
    %select_n3A_37 = arith.select %broadcast_in_dim3A_35, %slice3A_32, %broadcast_in_dim3A_36 : vector<4096x32xi1>, vector<4096x32xf32>
    %add3A_38 = arith.addf %add3A, %select_n3A_37 : vector<4096x32xf32>
    %eq3A_39 = arith.constant 1 : i32
    %eq3A_40 = vector.broadcast %eq3A_39 : i32 to vector<4096x1xi32>
    %eq3A_41 = arith.cmpi eq, %broadcast_in_dim3A_9, %eq3A_40 : vector<4096x1xi32>
    %slice3A_42 = vector.extract_strided_slice %get3A_4 {offsets = [0, 32], sizes = [4096, 32], strides = [1, 1]} : vector<4096x128xf32> to vector<4096x32xf32>
    %jit3A_43 = arith.constant 0.000000e+00 : f32
    %broadcast_in_dim3A_44 = vector.shape_cast %eq3A_41 : vector<4096x1xi1> to vector<4096x1xi1>
    %broadcast_in_dim3A_45 = vector.broadcast %broadcast_in_dim3A_44 : vector<4096x1xi1> to vector<4096x32xi1>
    %broadcast_in_dim3A_46 = vector.broadcast %jit3A_43 : f32 to vector<4096x32xf32>
    %select_n3A_47 = arith.select %broadcast_in_dim3A_45, %slice3A_42, %broadcast_in_dim3A_46 : vector<4096x32xi1>, vector<4096x32xf32>
    %add3A_48 = arith.addf %add3A_28, %select_n3A_47 : vector<4096x32xf32>
    %eq3A_49 = arith.constant 2 : i32
    %eq3A_50 = vector.broadcast %eq3A_49 : i32 to vector<4096x1xi32>
    %eq3A_51 = arith.cmpi eq, %broadcast_in_dim3A, %eq3A_50 : vector<4096x1xi32>
    %slice3A_52 = vector.extract_strided_slice %get3A_1 {offsets = [0, 64], sizes = [4096, 32], strides = [1, 1]} : vector<4096x128xf32> to vector<4096x32xf32>
    %jit3A_53 = arith.constant 0.000000e+00 : f32
    %broadcast_in_dim3A_54 = vector.shape_cast %eq3A_51 : vector<4096x1xi1> to vector<4096x1xi1>
    %broadcast_in_dim3A_55 = vector.broadcast %broadcast_in_dim3A_54 : vector<4096x1xi1> to vector<4096x32xi1>
    %broadcast_in_dim3A_56 = vector.broadcast %jit3A_53 : f32 to vector<4096x32xf32>
    %select_n3A_57 = arith.select %broadcast_in_dim3A_55, %slice3A_52, %broadcast_in_dim3A_56 : vector<4096x32xi1>, vector<4096x32xf32>
    %add3A_58 = arith.addf %add3A_38, %select_n3A_57 : vector<4096x32xf32>
    %eq3A_59 = arith.constant 2 : i32
    %eq3A_60 = vector.broadcast %eq3A_59 : i32 to vector<4096x1xi32>
    %eq3A_61 = arith.cmpi eq, %broadcast_in_dim3A_9, %eq3A_60 : vector<4096x1xi32>
    %slice3A_62 = vector.extract_strided_slice %get3A_4 {offsets = [0, 64], sizes = [4096, 32], strides = [1, 1]} : vector<4096x128xf32> to vector<4096x32xf32>
    %jit3A_63 = arith.constant 0.000000e+00 : f32
    %broadcast_in_dim3A_64 = vector.shape_cast %eq3A_61 : vector<4096x1xi1> to vector<4096x1xi1>
    %broadcast_in_dim3A_65 = vector.broadcast %broadcast_in_dim3A_64 : vector<4096x1xi1> to vector<4096x32xi1>
    %broadcast_in_dim3A_66 = vector.broadcast %jit3A_63 : f32 to vector<4096x32xf32>
    %select_n3A_67 = arith.select %broadcast_in_dim3A_65, %slice3A_62, %broadcast_in_dim3A_66 : vector<4096x32xi1>, vector<4096x32xf32>
    %add3A_68 = arith.addf %add3A_48, %select_n3A_67 : vector<4096x32xf32>
    %eq3A_69 = arith.constant 3 : i32
    %eq3A_70 = vector.broadcast %eq3A_69 : i32 to vector<4096x1xi32>
    %eq3A_71 = arith.cmpi eq, %broadcast_in_dim3A, %eq3A_70 : vector<4096x1xi32>
    %slice3A_72 = vector.extract_strided_slice %get3A_1 {offsets = [0, 96], sizes = [4096, 32], strides = [1, 1]} : vector<4096x128xf32> to vector<4096x32xf32>
    %jit3A_73 = arith.constant 0.000000e+00 : f32
    %broadcast_in_dim3A_74 = vector.shape_cast %eq3A_71 : vector<4096x1xi1> to vector<4096x1xi1>
    %broadcast_in_dim3A_75 = vector.broadcast %broadcast_in_dim3A_74 : vector<4096x1xi1> to vector<4096x32xi1>
    %broadcast_in_dim3A_76 = vector.broadcast %jit3A_73 : f32 to vector<4096x32xf32>
    %select_n3A_77 = arith.select %broadcast_in_dim3A_75, %slice3A_72, %broadcast_in_dim3A_76 : vector<4096x32xi1>, vector<4096x32xf32>
    %add3A_78 = arith.addf %add3A_58, %select_n3A_77 : vector<4096x32xf32>
    %eq3A_79 = arith.constant 3 : i32
    %eq3A_80 = vector.broadcast %eq3A_79 : i32 to vector<4096x1xi32>
    %eq3A_81 = arith.cmpi eq, %broadcast_in_dim3A_9, %eq3A_80 : vector<4096x1xi32>
    %slice3A_82 = vector.extract_strided_slice %get3A_4 {offsets = [0, 96], sizes = [4096, 32], strides = [1, 1]} : vector<4096x128xf32> to vector<4096x32xf32>
    %jit3A_83 = arith.constant 0.000000e+00 : f32
    %broadcast_in_dim3A_84 = vector.shape_cast %eq3A_81 : vector<4096x1xi1> to vector<4096x1xi1>
    %broadcast_in_dim3A_85 = vector.broadcast %broadcast_in_dim3A_84 : vector<4096x1xi1> to vector<4096x32xi1>
    %broadcast_in_dim3A_86 = vector.broadcast %jit3A_83 : f32 to vector<4096x32xf32>
    %select_n3A_87 = arith.select %broadcast_in_dim3A_85, %slice3A_82, %broadcast_in_dim3A_86 : vector<4096x32xi1>, vector<4096x32xf32>
    %add3A_88 = arith.addf %add3A_68, %select_n3A_87 : vector<4096x32xf32>
    %get3A_89 = arith.constant 0 : index
    %get3A_90 = arith.constant 0 : index
    %get3A_91 = vector.load %arg3[%get3A_89, %get3A_90] : memref<4096x128xf32, #tpu.memory_space<vmem>>, vector<4096x128xf32>
    %get3A_92 = arith.constant 0 : index
    %get3A_93 = arith.constant 0 : index
    %get3A_94 = vector.load %arg8[%get3A_92, %get3A_93] : memref<192x128xf32, #tpu.memory_space<vmem>>, vector<192x128xf32>
    %get3A_95 = arith.constant 0 : index
    %get3A_96 = arith.constant 0 : index
    %get3A_97 = vector.load %arg6[%get3A_95, %get3A_96] : memref<192x1xf32, #tpu.memory_space<vmem>>, vector<192x1xf32>
    %slice3A_98 = vector.extract_strided_slice %get3A_94 {offsets = [0, 0], sizes = [32, 128], strides = [1, 1]} : vector<192x128xf32> to vector<32x128xf32>
    %dot_general3A = arith.constant dense<0.000000e+00> : vector<4096x128xf32>
    %dot_general3A_99 = tpu.matmul %add3A_78, %slice3A_98, %dot_general3A {dimension_numbers = #tpu.dot_dimension_numbers<[1], [0], [0], [1], [0, 0, 1, 1], [], []>, transpose_lhs_hint = false} : vector<4096x32xf32>, vector<32x128xf32>, vector<4096x128xf32> -> vector<4096x128xf32>
    %slice3A_100 = vector.extract_strided_slice %get3A_94 {offsets = [32, 0], sizes = [32, 128], strides = [1, 1]} : vector<192x128xf32> to vector<32x128xf32>
    %dot_general3A_101 = arith.constant dense<0.000000e+00> : vector<4096x128xf32>
    %dot_general3A_102 = tpu.matmul %add3A_88, %slice3A_100, %dot_general3A_101 {dimension_numbers = #tpu.dot_dimension_numbers<[1], [0], [0], [1], [0, 0, 1, 1], [], []>, transpose_lhs_hint = false} : vector<4096x32xf32>, vector<32x128xf32>, vector<4096x128xf32> -> vector<4096x128xf32>
    %add3A_103 = arith.addf %dot_general3A_99, %dot_general3A_102 : vector<4096x128xf32>
    %slice3A_104 = vector.extract_strided_slice %get3A_94 {offsets = [64, 0], sizes = [128, 128], strides = [1, 1]} : vector<192x128xf32> to vector<128x128xf32>
    %dot_general3A_105 = arith.constant dense<0.000000e+00> : vector<4096x128xf32>
    %dot_general3A_106 = tpu.matmul %get3A_91, %slice3A_104, %dot_general3A_105 {dimension_numbers = #tpu.dot_dimension_numbers<[1], [0], [0], [1], [0, 0, 1, 1], [], []>, transpose_lhs_hint = false} : vector<4096x128xf32>, vector<128x128xf32>, vector<4096x128xf32> -> vector<4096x128xf32>
    %add3A_107 = arith.addf %add3A_103, %dot_general3A_106 : vector<4096x128xf32>
    %get3A_108 = arith.constant 0 : index
    %get3A_109 = vector.load %arg9[%get3A_108] : memref<128xf32, #tpu.memory_space<vmem>>, vector<128xf32>
    %broadcast_in_dim3A_110 = vector.shape_cast %get3A_109 : vector<128xf32> to vector<1x128xf32>
    %add3A_111 = vector.broadcast %broadcast_in_dim3A_110 : vector<1x128xf32> to vector<4096x128xf32>
    %add3A_112 = arith.addf %add3A_107, %add3A_111 : vector<4096x128xf32>
    %slice3A_113 = vector.extract_strided_slice %get3A_97 {offsets = [0, 0], sizes = [32, 1], strides = [1, 1]} : vector<192x1xf32> to vector<32x1xf32>
    %dot_general3A_114 = arith.constant dense<0.000000e+00> : vector<4096x1xf32>
    %dot_general3A_115 = tpu.matmul %add3A_78, %slice3A_113, %dot_general3A_114 {dimension_numbers = #tpu.dot_dimension_numbers<[1], [0], [0], [1], [0, 0, 1, 1], [], []>, transpose_lhs_hint = false} : vector<4096x32xf32>, vector<32x1xf32>, vector<4096x1xf32> -> vector<4096x1xf32>
    %slice3A_116 = vector.extract_strided_slice %get3A_97 {offsets = [32, 0], sizes = [32, 1], strides = [1, 1]} : vector<192x1xf32> to vector<32x1xf32>
    %dot_general3A_117 = arith.constant dense<0.000000e+00> : vector<4096x1xf32>
    %dot_general3A_118 = tpu.matmul %add3A_88, %slice3A_116, %dot_general3A_117 {dimension_numbers = #tpu.dot_dimension_numbers<[1], [0], [0], [1], [0, 0, 1, 1], [], []>, transpose_lhs_hint = false} : vector<4096x32xf32>, vector<32x1xf32>, vector<4096x1xf32> -> vector<4096x1xf32>
    %add3A_119 = arith.addf %dot_general3A_115, %dot_general3A_118 : vector<4096x1xf32>
    %slice3A_120 = vector.extract_strided_slice %get3A_97 {offsets = [64, 0], sizes = [128, 1], strides = [1, 1]} : vector<192x1xf32> to vector<128x1xf32>
    %dot_general3A_121 = arith.constant dense<0.000000e+00> : vector<4096x1xf32>
    %dot_general3A_122 = tpu.matmul %get3A_91, %slice3A_120, %dot_general3A_121 {dimension_numbers = #tpu.dot_dimension_numbers<[1], [0], [0], [1], [0, 0, 1, 1], [], []>, transpose_lhs_hint = false} : vector<4096x128xf32>, vector<128x1xf32>, vector<4096x1xf32> -> vector<4096x1xf32>
    %add3A_123 = arith.addf %add3A_119, %dot_general3A_122 : vector<4096x1xf32>
    %get3A_124 = arith.constant 0 : index
    %get3A_125 = vector.load %arg7[%get3A_124] : memref<1xf32, #tpu.memory_space<vmem>>, vector<1xf32>
    %broadcast_in_dim3A_126 = vector.shape_cast %get3A_125 : vector<1xf32> to vector<1x1xf32>
    %add3A_127 = vector.broadcast %broadcast_in_dim3A_126 : vector<1x1xf32> to vector<4096x1xf32>
    %add3A_128 = arith.addf %add3A_123, %add3A_127 : vector<4096x1xf32>
    %max3A = arith.constant 0.000000e+00 : f32
    %max3A_129 = vector.broadcast %max3A : f32 to vector<4096x128xf32>
    %max3A_130 = arith.maximumf %add3A_112, %max3A_129 : vector<4096x128xf32>
    %get3A_131 = arith.constant 0 : index
    %get3A_132 = arith.constant 0 : index
    %get3A_133 = vector.load %arg10[%get3A_131, %get3A_132] : memref<128x64xf32, #tpu.memory_space<vmem>>, vector<128x64xf32>
    %dot_general3A_134 = arith.constant dense<0.000000e+00> : vector<4096x64xf32>
    %dot_general3A_135 = tpu.matmul %max3A_130, %get3A_133, %dot_general3A_134 {dimension_numbers = #tpu.dot_dimension_numbers<[1], [0], [0], [1], [0, 0, 1, 1], [], []>, transpose_lhs_hint = false} : vector<4096x128xf32>, vector<128x64xf32>, vector<4096x64xf32> -> vector<4096x64xf32>
    %get3A_136 = arith.constant 0 : index
    %get3A_137 = vector.load %arg11[%get3A_136] : memref<64xf32, #tpu.memory_space<vmem>>, vector<64xf32>
    %broadcast_in_dim3A_138 = vector.shape_cast %get3A_137 : vector<64xf32> to vector<1x64xf32>
    %add3A_139 = vector.broadcast %broadcast_in_dim3A_138 : vector<1x64xf32> to vector<4096x64xf32>
    %add3A_140 = arith.addf %dot_general3A_135, %add3A_139 : vector<4096x64xf32>
    %max3A_141 = arith.constant 0.000000e+00 : f32
    %max3A_142 = vector.broadcast %max3A_141 : f32 to vector<4096x64xf32>
    %max3A_143 = arith.maximumf %add3A_140, %max3A_142 : vector<4096x64xf32>
    %get3A_144 = arith.constant 0 : index
    %get3A_145 = arith.constant 0 : index
    %get3A_146 = vector.load %arg12[%get3A_144, %get3A_145] : memref<64x32xf32, #tpu.memory_space<vmem>>, vector<64x32xf32>
    %dot_general3A_147 = arith.constant dense<0.000000e+00> : vector<4096x32xf32>
    %dot_general3A_148 = tpu.matmul %max3A_143, %get3A_146, %dot_general3A_147 {dimension_numbers = #tpu.dot_dimension_numbers<[1], [0], [0], [1], [0, 0, 1, 1], [], []>, transpose_lhs_hint = false} : vector<4096x64xf32>, vector<64x32xf32>, vector<4096x32xf32> -> vector<4096x32xf32>
    %get3A_149 = arith.constant 0 : index
    %get3A_150 = vector.load %arg13[%get3A_149] : memref<32xf32, #tpu.memory_space<vmem>>, vector<32xf32>
    %broadcast_in_dim3A_151 = vector.shape_cast %get3A_150 : vector<32xf32> to vector<1x32xf32>
    %add3A_152 = vector.broadcast %broadcast_in_dim3A_151 : vector<1x32xf32> to vector<4096x32xf32>
    %add3A_153 = arith.addf %dot_general3A_148, %add3A_152 : vector<4096x32xf32>
    %max3A_154 = arith.constant 0.000000e+00 : f32
    %max3A_155 = vector.broadcast %max3A_154 : f32 to vector<4096x32xf32>
    %max3A_156 = arith.maximumf %add3A_153, %max3A_155 : vector<4096x32xf32>
    %get3A_157 = arith.constant 0 : index
    %get3A_158 = arith.constant 0 : index
    %get3A_159 = vector.load %arg14[%get3A_157, %get3A_158] : memref<33x1xf32, #tpu.memory_space<vmem>>, vector<33x1xf32>
    %slice3A_160 = vector.extract_strided_slice %get3A_159 {offsets = [0, 0], sizes = [32, 1], strides = [1, 1]} : vector<33x1xf32> to vector<32x1xf32>
    %dot_general3A_161 = arith.constant dense<0.000000e+00> : vector<4096x1xf32>
    %dot_general3A_162 = tpu.matmul %max3A_156, %slice3A_160, %dot_general3A_161 {dimension_numbers = #tpu.dot_dimension_numbers<[1], [0], [0], [1], [0, 0, 1, 1], [], []>, transpose_lhs_hint = false} : vector<4096x32xf32>, vector<32x1xf32>, vector<4096x1xf32> -> vector<4096x1xf32>
    %slice3A_163 = vector.extract_strided_slice %get3A_159 {offsets = [32, 0], sizes = [1, 1], strides = [1, 1]} : vector<33x1xf32> to vector<1x1xf32>
    %mul3A = vector.broadcast %slice3A_163 : vector<1x1xf32> to vector<4096x1xf32>
    %mul3A_164 = arith.mulf %add3A_128, %mul3A : vector<4096x1xf32>
    %add3A_165 = arith.addf %dot_general3A_162, %mul3A_164 : vector<4096x1xf32>
    %get3A_166 = arith.constant 0 : index
    %get3A_167 = vector.load %arg15[%get3A_166] : memref<1xf32, #tpu.memory_space<vmem>>, vector<1xf32>
    %broadcast_in_dim3A_168 = vector.shape_cast %get3A_167 : vector<1xf32> to vector<1x1xf32>
    %add3A_169 = vector.broadcast %broadcast_in_dim3A_168 : vector<1x1xf32> to vector<4096x1xf32>
    %add3A_170 = arith.addf %add3A_165, %add3A_169 : vector<4096x1xf32>
    %swap3A = arith.constant 0 : index
    %swap3A_171 = arith.constant 0 : index
    %swap3A_172 = vector.load %arg16[%swap3A, %swap3A_171] : memref<4096x1xf32, #tpu.memory_space<vmem>>, vector<4096x1xf32>
    tpu.vector_store %arg16[%swap3A, %swap3A_171], %add3A_170 {strides = array<i32>} : memref<4096x1xf32, #tpu.memory_space<vmem>>, vector<4096x1xf32>,
    return
  }
  func.func @transform_0(%arg0: i32) -> (i32, i32) {
    %c0_i32 = arith.constant 0 : i32
    %c0_i32_0 = arith.constant 0 : i32
    return %arg0, %c0_i32 : i32, i32
  }
  func.func @transform_1(%arg0: i32) -> (i32, i32) {
    %c0_i32 = arith.constant 0 : i32
    %c0_i32_0 = arith.constant 0 : i32
    return %arg0, %c0_i32 : i32, i32
  }
  func.func @transform_2(%arg0: i32) -> (i32, i32) {
    %c0_i32 = arith.constant 0 : i32
    %c0_i32_0 = arith.constant 0 : i32
    return %arg0, %c0_i32 : i32, i32
  }
  func.func @transform_3(%arg0: i32) -> i32 {
    %c0_i32 = arith.constant 0 : i32
    return %arg0 : i32
  }
  func.func @transform_4(%arg0: i32) -> i32 {
    %c0_i32 = arith.constant 0 : i32
    return %arg0 : i32
  }
  func.func @transform_5(%arg0: i32) -> (i32, i32) {
    %c0_i32 = arith.constant 0 : i32
    %c0_i32_0 = arith.constant 0 : i32
    %c0_i32_1 = arith.constant 0 : i32
    return %c0_i32, %c0_i32_0 : i32, i32
  }
  func.func @transform_6(%arg0: i32) -> i32 {
    %c0_i32 = arith.constant 0 : i32
    %c0_i32_0 = arith.constant 0 : i32
    return %c0_i32 : i32
  }
  func.func @transform_7(%arg0: i32) -> (i32, i32) {
    %c0_i32 = arith.constant 0 : i32
    %c0_i32_0 = arith.constant 0 : i32
    %c0_i32_1 = arith.constant 0 : i32
    return %c0_i32, %c0_i32_0 : i32, i32
  }
  func.func @transform_8(%arg0: i32) -> i32 {
    %c0_i32 = arith.constant 0 : i32
    %c0_i32_0 = arith.constant 0 : i32
    return %c0_i32 : i32
  }
  func.func @transform_9(%arg0: i32) -> (i32, i32) {
    %c0_i32 = arith.constant 0 : i32
    %c0_i32_0 = arith.constant 0 : i32
    %c0_i32_1 = arith.constant 0 : i32
    return %c0_i32, %c0_i32_0 : i32, i32
  }
  func.func @transform_10(%arg0: i32) -> i32 {
    %c0_i32 = arith.constant 0 : i32
    %c0_i32_0 = arith.constant 0 : i32
    return %c0_i32 : i32
  }
  func.func @transform_11(%arg0: i32) -> (i32, i32) {
    %c0_i32 = arith.constant 0 : i32
    %c0_i32_0 = arith.constant 0 : i32
    %c0_i32_1 = arith.constant 0 : i32
    return %c0_i32, %c0_i32_0 : i32, i32
  }
  func.func @transform_12(%arg0: i32) -> i32 {
    %c0_i32 = arith.constant 0 : i32
    %c0_i32_0 = arith.constant 0 : i32
    return %c0_i32 : i32
  }
  func.func @transform_13(%arg0: i32) -> (i32, i32) {
    %c0_i32 = arith.constant 0 : i32
    %c0_i32_0 = arith.constant 0 : i32
    %c0_i32_1 = arith.constant 0 : i32
    return %c0_i32, %c0_i32_0 : i32, i32
  }
  func.func @transform_14(%arg0: i32) -> i32 {
    %c0_i32 = arith.constant 0 : i32
    %c0_i32_0 = arith.constant 0 : i32
    return %c0_i32 : i32
  }
  func.func @transform_15(%arg0: i32) -> (i32, i32) {
    %c0_i32 = arith.constant 0 : i32
    %c0_i32_0 = arith.constant 0 : i32
    return %arg0, %c0_i32 : i32, i32
  }
}

</mosaic_0001>

<sc_bundles>
// kernel: kernel.10.cloned.1.call-start
scs
__scs_entry_jumppad:
0x0: {  	(pc) =	sbr.rel $0x88, $3  }
0x1: {  	(tag) =	ssettag $0x0;
	lr =	simm.s32 $0x1  }
0x2: {  	[smem:$0x3F8B] =	sst lr;
	_ =	strace $0xD0000000  }
0x3: {  	_ = 	snop  }
0x4: {  	_ = 	snop  }
0x5: {  	_ = 	snop  }
0x6: {  	_ = 	snop  }
0x7: {  	_ = 	snop  }
__scs_overlays_trampoline_lowered:
0x8: {  	[smem:$0x3F9A] =	sst s0  }
0x9: {  	[smem:$0x3F9B] =	sst s1  }
0xa: {  	[smem:$0x3F9C] =	sst s2  }
0xb: {  	[smem:$0x3F9D] =	sst s3  }
0xc: {  	[smem:$0x3F9E] =	sst s4  }
0xd: {  	[smem:$0x3F9F] =	sst s5  }
0xe: {  	[smem:$0x3FA0] =	sst s6  }
0xf: {  	[smem:$0x3FA1] =	sst s7  }
0x10: {  	[smem:$0x3FA2] =	sst s8  }
0x11: {  	[smem:$0x3FA3] =	sst s9;
	s0 =	simm.s32 @!p0 $0x0  }
0x12: {  	s1 =	sld [smem:$0x3F89];
	s0 =	simm.s32 @p0 $0x1  }
0x13: {  	[smem:$0x3FA4] =	sst s0;
	s0 =	simm.s32 @!p1 $0x0  }
0x14: {  	s2 =	sld [smem:$0x3F88];
	s0 =	simm.s32 @p1 $0x1  }
0x15: {  	[smem:$0x3FA5] =	sst s0;
	s0 =	simm.s32 @!p2 $0x0  }
0x16: {  	s3 =	sld [smem:$0x3FDB];
	s0 =	simm.s32 @p2 $0x1  }
0x17: {  	s4 =	simm.s32 $0x1BF5;
	[smem:$0x3FA7] =	sst s0  }
0x18: {  	s0 =	sld [smem:$0x3F8A];
	_ =	swait.ge [sflag:s4], $0x0  }
0x19: {  	s7 =	sld [smem:$0x3F8B]  }
0x1a: {  	s8 =	sadd.s32 $0xFFFFE003, lr  }
0x1b: {  	s9 =	sadd.s32 $0xFFFFFEF7, lr;
	s5 =	simm.s32 $0xFFFFFFFF;
	p2 =	slt.u32 s8, $0xFFFFF086  }
0x1c: {  	p1 =	slt.u32 s9, $0xF7A;
	s5 =	simm.s32 @!p2 $0x0  }
0x1d: {  	s5 =	simm.s32 @p1 $0x1;
	p0 =	seq.s32 s7, s2  }
0x1e: {  	s7 =	smul.u32 @!p0 $0xF7A, s2;
	p2 =	seq.s32 @!p0 s5, $0x0  }
0x1f: {  	s9 =	smul.u32 $0xF7A, s1;
	s8 =	simm.s32 @!p0 $0x1BF5;
	p2 =	por !p2, p0  }
0x20: {  	[sflag:s8] =	ssyncset.s32 @!p0 $0xFFFFF086;
	s6 =	sadd.s32 @!p0 s3, s7;
	s7 =	simm.s32 @!p0 $0x108  }
0x21: {  	s3 =	sadd.s32 s3, s9;
	s6 =	sadd.s32 @!p0 $0x88, s6;
	s7 =	simm.s32 @p2 $0x1082  }
0x22: {  	[simem:s7], [sflag:s8] =	dma.local @!p0 [hbm:s6], $0xF7A  }
0x23: {  	s9 =	sor.u32 $0xD0000000, s2;
	s6 =	simm.s32 $0x108;
	_ =	swait.ge @!p0 [sflag:s8], $0x0  }
0x24: {  	s3 =	sadd.s32 $0x88, s3;
	s6 =	simm.s32 @!p1 $0x1082;
	[sflag:s4] =	ssyncset.s32 $0xFFFFF086  }
0x25: {  	[simem:s6], [sflag:s4] =	dma.local [hbm:s3], $0xF7A  }
0x26: {  	[smem:$0x3F8B] =	sst s1;
	(tag) =	ssettag s2;
	_ =	strace s9  }
0x27: {  	s1 =	sld [smem:$0x3F9B]  }
0x28: {  	s2 =	sld [smem:$0x3F9C]  }
0x29: {  	s4 =	sld [smem:$0x3F9E]  }
0x2a: {  	p0 =	seq.s32 s5, $0x0;
	s5 =	sld [smem:$0x3F9F]  }
0x2b: {  	s6 =	sld [smem:$0x3FA0]  }
0x2c: {  	s7 =	sld [smem:$0x3FA1]  }
0x2d: {  	s3 =	simm.s32 $0x108;
	s8 =	sld [smem:$0x3FA2]  }
0x2e: {  	s3 =	simm.s32 @!p0 $0x1082;
	s9 =	sld [smem:$0x3FA3]  }
0x2f: {  	lr =	sadd.s32 s0, s3;
	s0 =	sld [smem:$0x3F9A]  }
0x30: {  	s3 =	sld [smem:$0x3F9D]  }
0x31: {  	[smem:$0x3FA6] =	sst s10  }
0x32: {  	s10 =	sld [smem:$0x3FA4];
	_ =	sdelay $0x3  }
0x33: {  	p0 =	seq.s32 s10, $0x1;
	s10 =	sld [smem:$0x3FA6];
	_ =	sdelay $0x3  }
0x34: {  	[smem:$0x3FA6] =	sst s10  }
0x35: {  	s10 =	sld [smem:$0x3FA5];
	_ =	sdelay $0x3  }
0x36: {  	p1 =	seq.s32 s10, $0x1;
	s10 =	sld [smem:$0x3FA6];
	_ =	sdelay $0x3  }
0x37: {  	[smem:$0x3FA6] =	sst s10  }
0x38: {  	s10 =	sld [smem:$0x3FA7]  }
0x39: {  	_ = 	snop;
	(pc) =	sbr.ind lr, $3  }
0x3a: {  	_ = 	snop  }
0x3b: {  	_ = 	snop  }
0x3c: {  	p2 =	seq.s32 s10, $0x1;
	s10 =	sld [smem:$0x3FA6]  }
0x3d: {  	_ =	shalt  }
0x3e: {  	_ =	shalt  }
0x3f: {  	_ =	shalt  }
0x40: {  	_ =	shalt  }
0x41: {  	_ =	shalt  }
0x42: {  	_ =	shalt  }
0x43: {  	_ =	shalt  }
0x44: {  	_ =	shalt  }
0x45: {  	_ =	shalt  }
0x46: {  	_ =	shalt  }
0x47: {  	_ =	shalt  }
0x48: {  	_ =	shalt  }
0x49: {  	_ =	shalt  }
0x4a: {  	_ =	shalt  }
0x4b: {  	_ =	shalt  }
0x4c: {  	_ =	shalt  }
0x4d: {  	_ =	shalt  }
0x4e: {  	_ =	shalt  }
0x4f: {  	_ =	shalt  }
0x50: {  	_ =	shalt  }
0x51: {  	_ =	shalt  }
0x52: {  	_ =	shalt  }
0x53: {  	_ =	shalt  }
0x54: {  	_ =	shalt  }
0x55: {  	_ =	shalt  }
0x56: {  	_ =	shalt  }
0x57: {  	_ =	shalt  }
0x58: {  	_ =	shalt  }
0x59: {  	_ =	shalt  }
0x5a: {  	_ =	shalt  }
0x5b: {  	_ =	shalt  }
0x5c: {  	_ =	shalt  }
0x5d: {  	_ =	shalt  }
0x5e: {  	_ =	shalt  }
0x5f: {  	_ =	shalt  }
0x60: {  	_ =	shalt  }
0x61: {  	_ =	shalt  }
0x62: {  	_ =	shalt  }
0x63: {  	_ =	shalt  }
0x64: {  	_ =	shalt  }
0x65: {  	_ =	shalt  }
0x66: {  	_ =	shalt  }
0x67: {  	_ =	shalt  }
0x68: {  	_ =	shalt  }
0x69: {  	_ =	shalt  }
0x6a: {  	_ =	shalt  }
0x6b: {  	_ =	shalt  }
0x6c: {  	_ =	shalt  }
0x6d: {  	_ =	shalt  }
0x6e: {  	_ =	shalt  }
0x6f: {  	_ =	shalt  }
0x70: {  	_ =	shalt  }
0x71: {  	_ =	shalt  }
0x72: {  	_ =	shalt  }
0x73: {  	_ =	shalt  }
0x74: {  	_ =	shalt  }
0x75: {  	_ =	shalt  }
0x76: {  	_ =	shalt  }
0x77: {  	_ =	shalt  }
0x78: {  	_ =	shalt  }
0x79: {  	_ =	shalt  }
0x7a: {  	_ =	shalt  }
0x7b: {  	_ =	shalt  }
0x7c: {  	_ =	shalt  }
0x7d: {  	_ =	shalt  }
0x7e: {  	_ =	shalt  }
0x7f: {  	_ =	shalt  }
0x80: {  	_ =	shalt  }
0x81: {  	_ =	shalt  }
0x82: {  	_ =	shalt  }
0x83: {  	_ =	shalt  }
0x84: {  	_ =	shalt  }
0x85: {  	_ =	shalt  }
0x86: {  	_ =	shalt  }
0x87: {  	_ =	shalt  }
.Lfunc_end0:
.L_simem_size_0:
called_computation.1_lowered:
.L_overlay_start_0:
0x88: {  	s2 =	sld [smem:$0x3FD9]  }
0x89: {  	s3 =	sld [smem:$0x3FFE];
	_ =	sdelay $0x1  }
0x8a: {  	s1 =	srdreg.scid  }
0x8b: {  	s0 =	sand.u32 $0x1, s1  }
0x8c: {  	s16 =	sshll.u32 s0, $0xA;
	s2 =	sadd.s32 s3, s2  }
0x8d: {  	s2 =	sadd.s32 s2, s16  }
0x8e: {  	[smem:$0x3FB2] =	sst s2  }
0x8f: {  	_ = 	snop  }
0x90: {  	(tm) =	ssettm $0x1  }
0x91: {  	s17 =	sld [smem:$0x3FFB];
	_ =	sdelay $0x3  }
0x92: {  	_ =	strace s17  }
0x93: {  	s2 =	sld [smem:$0x3FFC];
	_ =	sdelay $0x3  }
0x94: {  	_ =	strace s2  }
0x95: {  	s2 =	sld [smem:$0x3FFD];
	_ =	sdelay $0x3  }
0x96: {  	_ =	strace s2  }
0x97: {  	_ =	strace $0x8FFFFFFF  }
0x98: {  	s18 =	sld [smem:$0x3FDB];
	_ =	sdelay $0x1  }
0x99: {  	s19 =	simm.s32 $_scs_section_size  }
0x9a: {  	s4 =	simm.s32 $_size__tile_overlayer_lowered;
	s5 =	simm.s32 $_tile_overlayer_lowered  }
0x9b: {  	s22 =	simm.s32 $0x1BFF;
	s21 =	sshll.u32 s5, $0x1;
	s2 =	sadd.s32 s19, s18  }
0x9c: {  	s6 =	simm.s32 $0x0;
	s20 =	sshll.u32 s4, $0x1;
	s4 =	sadd.s32 s21, s2  }
0x9d: {  	[timem:s6], [sflag:s22] =	dma.local [hbm:s4], s20  }
0x9e: {  	_ =	swait.ge [sflag:s22], s20  }
0x9f: {  	s3 =	ssub.s32 $0x0, s20;
	[sflag:s22] =	ssyncset.done $0x0  }
0xa0: {  	[sflag:s22] =	ssyncadd.s32 s3;
	_ =	sdelay $0x1  }
0xa1: {  	s23 =	simm.s32 $0x1B8B  }
0xa2: {  	_ =	swait.ge [sflag:s23], $0x1  }
0xa3: {  	[sflag:s23] =	ssyncset.done $0x0  }
0xa4: {  	s25 =	simm.s32 $0x1B8E;
	s24 =	sld [smem:$0x3FFE];
	[sflag:s23] =	ssyncadd.s32 $0xFFFFFFFF  }
0xa5: {  	s26 =	simm.s32 $execute0_lowered;
	[smem:$0x3FD2] =	sst s25  }
0xa6: {  	s4 =	sshll.u32 s26, $0x1;
	_ =	strace $0x80000046;
	[dreg:$0x1] =	wrdreg $0xFFFFFFFF  }
0xa7: {  	s28 =	simm.s32 $_size_execute0_lowered;
	s2 =	sadd.s32 s2, s4;
	[dreg:$0x0] =	wrdreg $0x0  }
0xa8: {  	s4 =	sshll.u32 s28, $0x1;
	[dreg:$0x2] =	wrdreg s2  }
0xa9: {  	[dreg:$0x3] =	wrdreg s4  }
0xaa: {  	[dreg:$0x4] =	wrdreg $0xC0  }
0xab: {  	_ =	task [dreg:s6], $0x5FFFF  }
0xac: {  	[dreg:$0x1] =	wrdreg $0xFFFFFFFF  }
0xad: {  	[dreg:$0x0] =	wrdreg $0x60  }
0xae: {  	[dreg:$0x2] =	wrdreg s24  }
0xaf: {  	[dreg:$0x3] =	wrdreg $0xA  }
0xb0: {  	_ =	task.clear_ibuf [dreg:s6], $0x4FFFF;
	_ =	strace $0x90000046  }
0xb1: {  	s29 =	simm.s32 $0xA;
	_ =	strace $0x80000048  }
0xb2: {  	_ =	swait.ge [sflag:s29], $0x1  }
0xb3: {  	[sflag:s29] =	ssyncadd.s32 $0xFFFFFFFF  }
0xb4: {  	_ =	strace $0x90000048  }
0xb5: {  	_ =	sfence  }
0xb6: {  	s30 =	sld [smem:$0x0];
	_ =	sdelay $0x2  }
0xb7: {  	s31 =	sshll.u32 s1, $0xD;
	s1 =	sshrl.u32 s1, $0x2  }
0xb8: {  	s3 =	sand.u32 $0x4000, s31;
	s1 =	sadd.s32 s1, s30  }
0xb9: {  	s0 =	sor.u32 s3, s0;
	s1 =	sshll.u32 s1, $0x11  }
0xba: {  	s0 =	sor.u32 s1, s0  }
0xbb: {  	s0 =	sadd.s32 $0x8F2B, s0  }
0xbc: {  	[sflag:s0] =	ssyncadd.remote.s32 $0x1  }
0xbd: {  	_ =	sfence.sel $0xFFFF  }
0xbe: {  	[dreg:$0x0] =	wrdreg $0xFFFFFFFF;
	(pc) =	sbr.abs _section_cstart, $3  }
0xbf: {  	[dreg:$0x1] =	wrdreg $0xFFFFFFFF  }
0xc0: {  	_ =	task.clear_ibuf [dreg:s6], $0x2FFFF;
	_ =	strace $0x9FFFFFFF  }
0xc1: {  	(tm) =	ssettm $0x7FFFFFFF  }
tec
execute0_lowered:
.L_overlay_start_1:
0x0: {  	(tag) =	ssettag $0x1  }
0x1: {  	s1 =	srdreg.scid  }
0x2: {  	s0 =	stileid.u32;
	s23 =	sand.u32 $0x1, s1  }
0x3: {  	s31 =	sshll.u32 s0, $0xA;
	s2 =	sshll.u32 s23, $0x9  }
0x4: {  	s15 =	sor.u32 s2, s31  }
0x5: {  	s14 =	rddreg [dreg:$0x0];
	s2 =	simm.s32 $0x0;
	s3 =	sshrl.u32 s15, $0x3  }
0x6: {  	s4 =	simm.s32 $0x1;
	[smem:$0x7FF] =	sst s2;
	s3 =	sadd.s32 s3, s14  }
0x7: {  	s1 =	rddreg [dreg:$0x1];
	_ =	strace $0x80000047;
	s3 =	sadd.s32 $0x404400, s3  }
0x8: {  	[tilespmem:s2], [sflag:$0x1] =	stream.linear.gather [hbm4b:s3+s2], $0x200, $0x38;
	[tilespmem:$0x10200] =	vst v63  }
0x9: {  	_ =	swait.ge [sflag:s4], $0x200  }
0xa: {  	s6 =	simm.s32 $0x80;
	[sflag:s4] =	ssyncset.done $0x0  }
0xb: {  	s7 =	simm.s32 $0x200;
	s5 =	sadd.s32 $0x4400, s14;
	[sflag:s4] =	ssyncadd.s32 $0xFFFFFE00  }
0xc: {  	[tilespmem:s7], [sflag:$0x2] =	stream.indirect.gather [hbm4b:s5+s6], $0x80, s2, s6, $0xb8;
	[tilespmem:$0x10200] =	vst v63  }
0xd: {  	s8 =	simm.s32 $0x4200  }
0xe: {  	[tilespmem:s8], [sflag:$0x3] =	stream.indirect.gather [hbm4b:s5+s6], $0x80, s6, s6, $0xb8;
	[tilespmem:$0x10200] =	vst v63  }
0xf: {  	s9 =	simm.s32 $0x100;
	s10 =	simm.s32 $0x8200  }
0x10: {  	[tilespmem:s10], [sflag:$0x4] =	stream.indirect.gather [hbm4b:s5+s6], $0x80, s9, s6, $0xb8;
	[tilespmem:$0x10200] =	vst v63  }
0x11: {  	s11 =	simm.s32 $0x180;
	s12 =	simm.s32 $0xC200;
	s13 =	simm.s32 $0x2  }
0x12: {  	[tilespmem:s12], [sflag:$0x5] =	stream.indirect.gather [hbm4b:s5+s6], $0x80, s11, s6, $0xb8;
	[tilespmem:$0x10200] =	vst v63  }
0x13: {  	s15 =	sshll.u32 s15, $0x4;
	_ =	swait.ge [sflag:s13], $0x4000  }
0x14: {  	s20 =	sadd.s32 s15, s14;
	[sflag:s13] =	ssyncset.done $0x0  }
0x15: {  	s15 =	simm.s32 $0x3;
	s14 =	sadd.s32 $0x404C00, s20;
	[sflag:s13] =	ssyncadd.s32 $0xFFFFC000  }
0x16: {  	[hbm4b:s14+s2] =	stream.linear.scatter [tilespmem:s7], [sflag:$0x6], $0x4000, $0x38;
	[tilespmem:$0x10200] =	vst v63  }
0x17: {  	_ =	swait.ge [sflag:s15], $0x4000  }
0x18: {  	[sflag:s15] =	ssyncset.done $0x0  }
0x19: {  	s17 =	simm.s32 $0x4;
	s16 =	sadd.s32 $0x405400, s20;
	[sflag:s15] =	ssyncadd.s32 $0xFFFFC000  }
0x1a: {  	[hbm4b:s16+s2] =	stream.linear.scatter [tilespmem:s8], [sflag:$0x7], $0x4000, $0x38;
	[tilespmem:$0x10200] =	vst v63  }
0x1b: {  	_ =	swait.ge [sflag:s17], $0x4000  }
0x1c: {  	[sflag:s17] =	ssyncset.done $0x0  }
0x1d: {  	s19 =	simm.s32 $0x5;
	s18 =	sadd.s32 $0x405C00, s20;
	[sflag:s17] =	ssyncadd.s32 $0xFFFFC000  }
0x1e: {  	[hbm4b:s18+s2] =	stream.linear.scatter [tilespmem:s10], [sflag:$0x8], $0x4000, $0x38;
	[tilespmem:$0x10200] =	vst v63  }
0x1f: {  	_ =	swait.ge [sflag:s19], $0x4000  }
0x20: {  	[sflag:s19] =	ssyncset.done $0x0  }
0x21: {  	s21 =	simm.s32 $0x6;
	s20 =	sadd.s32 $0x406400, s20;
	[sflag:s19] =	ssyncadd.s32 $0xFFFFC000  }
0x22: {  	[hbm4b:s20+s2] =	stream.linear.scatter [tilespmem:s12], [sflag:$0x9], $0x4000, $0x38;
	[tilespmem:$0x10200] =	vst v63  }
0x23: {  	_ =	swait.ge [sflag:s21], $0x4000  }
0x24: {  	s24 =	ssub.s32 $0x2, s23;
	[sflag:s21] =	ssyncset.done $0x0  }
0x25: {  	s22 =	simm.s32 $0x7;
	s25 =	sshrl.u32 s24, $0x1;
	[sflag:s21] =	ssyncadd.s32 $0xFFFFC000  }
0x26: {  	s24 =	ssub.s32 s24, s25;
	_ =	swait.ge [sflag:s22], $0x4000  }
0x27: {  	s25 =	smax.u32 s24, $0x1;
	[sflag:s22] =	ssyncset.done $0x0  }
0x28: {  	s23 =	simm.s32 $0x8;
	p0 =	sne.s32 s25, $0x1;
	[sflag:s22] =	ssyncadd.s32 $0xFFFFC000  }
.Ltmp0:
0x29: {  	_ =	swait.ge [sflag:s23], $0x4000;
	(pc) =	sbr.rel @!p0 .LBB2_2-.Ltmp0, $4  }
0x2a: {  	[sflag:s23] =	ssyncset.done $0x0  }
0x2b: {  	s24 =	simm.s32 $0x9;
	[sflag:s23] =	ssyncadd.s32 $0xFFFFC000  }
0x2c: {  	_ =	swait.ge [sflag:s24], $0x4000  }
0x2d: {  	s25 =	sadd.s32 $0xFFFFFFFF, s25;
	[sflag:s24] =	ssyncset.done $0x0  }
.LBB2_1:
0x2e: {  	p0 =	sne.s32 s25, $0x1;
	s25 =	sadd.s32 $0xFFFFFFFF, s25;
	[sflag:s24] =	ssyncadd.s32 $0xFFFFC000  }
0x2f: {  	[tilespmem:s2], [sflag:$0x1] =	stream.linear.gather [hbm4b:s3+s2], $0x200, $0x38;
	[tilespmem:$0x10200] =	vst v63  }
0x30: {  	_ =	swait.ge [sflag:s4], $0x200  }
0x31: {  	[sflag:s4] =	ssyncset.done $0x0  }
0x32: {  	[sflag:s4] =	ssyncadd.s32 $0xFFFFFE00  }
0x33: {  	[tilespmem:s7], [sflag:$0x2] =	stream.indirect.gather [hbm4b:s5+s6], $0x80, s2, s6, $0xb8;
	[tilespmem:$0x10200] =	vst v63  }
0x34: {  	_ = 	snop  }
0x35: {  	[tilespmem:s8], [sflag:$0x3] =	stream.indirect.gather [hbm4b:s5+s6], $0x80, s6, s6, $0xb8;
	[tilespmem:$0x10200] =	vst v63  }
0x36: {  	_ = 	snop  }
0x37: {  	[tilespmem:s10], [sflag:$0x4] =	stream.indirect.gather [hbm4b:s5+s6], $0x80, s9, s6, $0xb8;
	[tilespmem:$0x10200] =	vst v63  }
0x38: {  	_ = 	snop  }
0x39: {  	[tilespmem:s12], [sflag:$0x5] =	stream.indirect.gather [hbm4b:s5+s6], $0x80, s11, s6, $0xb8;
	[tilespmem:$0x10200] =	vst v63  }
0x3a: {  	_ =	swait.ge [sflag:s13], $0x4000  }
0x3b: {  	[sflag:s13] =	ssyncset.done $0x0  }
0x3c: {  	[sflag:s13] =	ssyncadd.s32 $0xFFFFC000  }
0x3d: {  	[hbm4b:s14+s2] =	stream.linear.scatter [tilespmem:s7], [sflag:$0x6], $0x4000, $0x38;
	[tilespmem:$0x10200] =	vst v63  }
0x3e: {  	_ =	swait.ge [sflag:s15], $0x4000  }
0x3f: {  	[sflag:s15] =	ssyncset.done $0x0  }
0x40: {  	[sflag:s15] =	ssyncadd.s32 $0xFFFFC000  }
0x41: {  	[hbm4b:s16+s2] =	stream.linear.scatter [tilespmem:s8], [sflag:$0x7], $0x4000, $0x38;
	[tilespmem:$0x10200] =	vst v63  }
0x42: {  	_ =	swait.ge [sflag:s17], $0x4000  }
0x43: {  	[sflag:s17] =	ssyncset.done $0x0  }
0x44: {  	[sflag:s17] =	ssyncadd.s32 $0xFFFFC000  }
0x45: {  	[hbm4b:s18+s2] =	stream.linear.scatter [tilespmem:s10], [sflag:$0x8], $0x4000, $0x38;
	[tilespmem:$0x10200] =	vst v63  }
0x46: {  	_ =	swait.ge [sflag:s19], $0x4000  }
0x47: {  	[sflag:s19] =	ssyncset.done $0x0  }
0x48: {  	[sflag:s19] =	ssyncadd.s32 $0xFFFFC000  }
0x49: {  	[hbm4b:s20+s2] =	stream.linear.scatter [tilespmem:s12], [sflag:$0x9], $0x4000, $0x38;
	[tilespmem:$0x10200] =	vst v63  }
0x4a: {  	_ =	swait.ge [sflag:s21], $0x4000  }
0x4b: {  	[sflag:s21] =	ssyncset.done $0x0  }
0x4c: {  	[sflag:s21] =	ssyncadd.s32 $0xFFFFC000  }
0x4d: {  	_ =	swait.ge [sflag:s22], $0x4000  }
0x4e: {  	[sflag:s22] =	ssyncset.done $0x0  }
0x4f: {  	[sflag:s22] =	ssyncadd.s32 $0xFFFFC000  }
.Ltmp1:
0x50: {  	_ =	swait.ge [sflag:s23], $0x4000;
	(pc) =	sbr.rel @p0 .LBB2_1-.Ltmp1, $4  }
0x51: {  	[sflag:s23] =	ssyncset.done $0x0  }
0x52: {  	[sflag:s23] =	ssyncadd.s32 $0xFFFFC000  }
0x53: {  	_ =	swait.ge [sflag:s24], $0x4000  }
0x54: {  	[sflag:s24] =	ssyncset.done $0x0  }
.LBB2_2:
0x55: {  	[sflag:s24] =	ssyncadd.s32 $0xFFFFC000  }
0x56: {  	_ =	sfence.sel $0x180000  }
0x57: {  	[bflag:$0x0] =	sbarrier.arrive $0xFFFF  }
0x58: {  	p0 =	sne.s32 s0, $0x0;
	_ =	strace $0x90000047  }
0x59: {  	s0 =	sadd.s32 @!p0 $0x100000, s1;
	[bflag:$0x2] =	sbarrier.arrive $0xFFFF  }
0x5a: {  	[sflag:s0] =	ssyncadd.tile.s32 @!p0 $0x1;
	_ =	shalt  }
.Lfunc_end2:
_tile_overlayer_lowered:
.L_overlay_start_2:
0x5b: {  	(tag) =	ssettag $0x2  }
0x5c: {  	s0 =	rddreg [dreg:$0x0];
	s2 =	stileid.u32  }
0x5d: {  	s1 =	rddreg [dreg:$0x1];
	p0 =	sne.s32 s2, $0x0  }
0x5e: {  	s3 =	rddreg [dreg:$0x2];
	[bflag:$0x3] =	sbarrier.arrive $0xFFFF;
	s2 =	simm.s32 @!p0 $0x1C0A  }
0x5f: {  	[timem:s3], [sflag:s2] =	dma.local @!p0 [hbm:s0], s1  }
0x60: {  	s0 =	simm.s32 @!p0 $0xA  }
0x61: {  	_ =	swait.ge @!p0 [sflag:s0], s1  }
0x62: {  	s1 =	ssub.s32 @!p0 $0x0, s1;
	[sflag:s0] =	ssyncset.done @!p0 $0x0  }
0x63: {  	[sflag:s0] =	ssyncadd.s32 @!p0 s1  }
0x64: {  	[bflag:$0x3] =	sbarrier.arrive $0xFFFF  }
0x65: {  	_ =	shalt  }

// kernel: kernel.7.cloned.1.call-start
scs
__scs_entry_jumppad:
0x0: {  	(pc) =	sbr.rel $0x88, $3  }
0x1: {  	(tag) =	ssettag $0x0;
	lr =	simm.s32 $0x1  }
0x2: {  	[smem:$0x3F8B] =	sst lr;
	_ =	strace $0xD0000000  }
0x3: {  	_ = 	snop  }
0x4: {  	_ = 	snop  }
0x5: {  	_ = 	snop  }
0x6: {  	_ = 	snop  }
0x7: {  	_ = 	snop  }
__scs_overlays_trampoline_lowered:
0x8: {  	[smem:$0x3F9A] =	sst s0  }
0x9: {  	[smem:$0x3F9B] =	sst s1  }
0xa: {  	[smem:$0x3F9C] =	sst s2  }
0xb: {  	[smem:$0x3F9D] =	sst s3  }
0xc: {  	[smem:$0x3F9E] =	sst s4  }
0xd: {  	[smem:$0x3F9F] =	sst s5  }
0xe: {  	[smem:$0x3FA0] =	sst s6  }
0xf: {  	[smem:$0x3FA1] =	sst s7  }
0x10: {  	[smem:$0x3FA2] =	sst s8  }
0x11: {  	[smem:$0x3FA3] =	sst s9;
	s0 =	simm.s32 @!p0 $0x0  }
0x12: {  	s1 =	sld [smem:$0x3F89];
	s0 =	simm.s32 @p0 $0x1  }
0x13: {  	[smem:$0x3FA4] =	sst s0;
	s0 =	simm.s32 @!p1 $0x0  }
0x14: {  	s2 =	sld [smem:$0x3F88];
	s0 =	simm.s32 @p1 $0x1  }
0x15: {  	[smem:$0x3FA5] =	sst s0;
	s0 =	simm.s32 @!p2 $0x0  }
0x16: {  	s3 =	sld [smem:$0x3FDB];
	s0 =	simm.s32 @p2 $0x1  }
0x17: {  	s4 =	simm.s32 $0x1BF5;
	[smem:$0x3FA7] =	sst s0  }
0x18: {  	s0 =	sld [smem:$0x3F8A];
	_ =	swait.ge [sflag:s4], $0x0  }
0x19: {  	s7 =	sld [smem:$0x3F8B]  }
0x1a: {  	s8 =	sadd.s32 $0xFFFFE003, lr  }
0x1b: {  	s9 =	sadd.s32 $0xFFFFFEF7, lr;
	s5 =	simm.s32 $0xFFFFFFFF;
	p2 =	slt.u32 s8, $0xFFFFF086  }
0x1c: {  	p1 =	slt.u32 s9, $0xF7A;
	s5 =	simm.s32 @!p2 $0x0  }
0x1d: {  	s5 =	simm.s32 @p1 $0x1;
	p0 =	seq.s32 s7, s2  }
0x1e: {  	s7 =	smul.u32 @!p0 $0xF7A, s2;
	p2 =	seq.s32 @!p0 s5, $0x0  }
0x1f: {  	s9 =	smul.u32 $0xF7A, s1;
	s8 =	simm.s32 @!p0 $0x1BF5;
	p2 =	por !p2, p0  }
0x20: {  	[sflag:s8] =	ssyncset.s32 @!p0 $0xFFFFF086;
	s6 =	sadd.s32 @!p0 s3, s7;
	s7 =	simm.s32 @!p0 $0x108  }
0x21: {  	s3 =	sadd.s32 s3, s9;
	s6 =	sadd.s32 @!p0 $0x88, s6;
	s7 =	simm.s32 @p2 $0x1082  }
0x22: {  	[simem:s7], [sflag:s8] =	dma.local @!p0 [hbm:s6], $0xF7A  }
0x23: {  	s9 =	sor.u32 $0xD0000000, s2;
	s6 =	simm.s32 $0x108;
	_ =	swait.ge @!p0 [sflag:s8], $0x0  }
0x24: {  	s3 =	sadd.s32 $0x88, s3;
	s6 =	simm.s32 @!p1 $0x1082;
	[sflag:s4] =	ssyncset.s32 $0xFFFFF086  }
0x25: {  	[simem:s6], [sflag:s4] =	dma.local [hbm:s3], $0xF7A  }
0x26: {  	[smem:$0x3F8B] =	sst s1;
	(tag) =	ssettag s2;
	_ =	strace s9  }
0x27: {  	s1 =	sld [smem:$0x3F9B]  }
0x28: {  	s2 =	sld [smem:$0x3F9C]  }
0x29: {  	s4 =	sld [smem:$0x3F9E]  }
0x2a: {  	p0 =	seq.s32 s5, $0x0;
	s5 =	sld [smem:$0x3F9F]  }
0x2b: {  	s6 =	sld [smem:$0x3FA0]  }
0x2c: {  	s7 =	sld [smem:$0x3FA1]  }
0x2d: {  	s3 =	simm.s32 $0x108;
	s8 =	sld [smem:$0x3FA2]  }
0x2e: {  	s3 =	simm.s32 @!p0 $0x1082;
	s9 =	sld [smem:$0x3FA3]  }
0x2f: {  	lr =	sadd.s32 s0, s3;
	s0 =	sld [smem:$0x3F9A]  }
0x30: {  	s3 =	sld [smem:$0x3F9D]  }
0x31: {  	[smem:$0x3FA6] =	sst s10  }
0x32: {  	s10 =	sld [smem:$0x3FA4];
	_ =	sdelay $0x3  }
0x33: {  	p0 =	seq.s32 s10, $0x1;
	s10 =	sld [smem:$0x3FA6];
	_ =	sdelay $0x3  }
0x34: {  	[smem:$0x3FA6] =	sst s10  }
0x35: {  	s10 =	sld [smem:$0x3FA5];
	_ =	sdelay $0x3  }
0x36: {  	p1 =	seq.s32 s10, $0x1;
	s10 =	sld [smem:$0x3FA6];
	_ =	sdelay $0x3  }
0x37: {  	[smem:$0x3FA6] =	sst s10  }
0x38: {  	s10 =	sld [smem:$0x3FA7]  }
0x39: {  	_ = 	snop;
	(pc) =	sbr.ind lr, $3  }
0x3a: {  	_ = 	snop  }
0x3b: {  	_ = 	snop  }
0x3c: {  	p2 =	seq.s32 s10, $0x1;
	s10 =	sld [smem:$0x3FA6]  }
0x3d: {  	_ =	shalt  }
0x3e: {  	_ =	shalt  }
0x3f: {  	_ =	shalt  }
0x40: {  	_ =	shalt  }
0x41: {  	_ =	shalt  }
0x42: {  	_ =	shalt  }
0x43: {  	_ =	shalt  }
0x44: {  	_ =	shalt  }
0x45: {  	_ =	shalt  }
0x46: {  	_ =	shalt  }
0x47: {  	_ =	shalt  }
0x48: {  	_ =	shalt  }
0x49: {  	_ =	shalt  }
0x4a: {  	_ =	shalt  }
0x4b: {  	_ =	shalt  }
0x4c: {  	_ =	shalt  }
0x4d: {  	_ =	shalt  }
0x4e: {  	_ =	shalt  }
0x4f: {  	_ =	shalt  }
0x50: {  	_ =	shalt  }
0x51: {  	_ =	shalt  }
0x52: {  	_ =	shalt  }
0x53: {  	_ =	shalt  }
0x54: {  	_ =	shalt  }
0x55: {  	_ =	shalt  }
0x56: {  	_ =	shalt  }
0x57: {  	_ =	shalt  }
0x58: {  	_ =	shalt  }
0x59: {  	_ =	shalt  }
0x5a: {  	_ =	shalt  }
0x5b: {  	_ =	shalt  }
0x5c: {  	_ =	shalt  }
0x5d: {  	_ =	shalt  }
0x5e: {  	_ =	shalt  }
0x5f: {  	_ =	shalt  }
0x60: {  	_ =	shalt  }
0x61: {  	_ =	shalt  }
0x62: {  	_ =	shalt  }
0x63: {  	_ =	shalt  }
0x64: {  	_ =	shalt  }
0x65: {  	_ =	shalt  }
0x66: {  	_ =	shalt  }
0x67: {  	_ =	shalt  }
0x68: {  	_ =	shalt  }
0x69: {  	_ =	shalt  }
0x6a: {  	_ =	shalt  }
0x6b: {  	_ =	shalt  }
0x6c: {  	_ =	shalt  }
0x6d: {  	_ =	shalt  }
0x6e: {  	_ =	shalt  }
0x6f: {  	_ =	shalt  }
0x70: {  	_ =	shalt  }
0x71: {  	_ =	shalt  }
0x72: {  	_ =	shalt  }
0x73: {  	_ =	shalt  }
0x74: {  	_ =	shalt  }
0x75: {  	_ =	shalt  }
0x76: {  	_ =	shalt  }
0x77: {  	_ =	shalt  }
0x78: {  	_ =	shalt  }
0x79: {  	_ =	shalt  }
0x7a: {  	_ =	shalt  }
0x7b: {  	_ =	shalt  }
0x7c: {  	_ =	shalt  }
0x7d: {  	_ =	shalt  }
0x7e: {  	_ =	shalt  }
0x7f: {  	_ =	shalt  }
0x80: {  	_ =	shalt  }
0x81: {  	_ =	shalt  }
0x82: {  	_ =	shalt  }
0x83: {  	_ =	shalt  }
0x84: {  	_ =	shalt  }
0x85: {  	_ =	shalt  }
0x86: {  	_ =	shalt  }
0x87: {  	_ =	shalt  }
.Lfunc_end0:
.L_simem_size_0:
called_computation_lowered:
.L_overlay_start_0:
0x88: {  	s2 =	sld [smem:$0x3FD9]  }
0x89: {  	s3 =	sld [smem:$0x3FFE];
	_ =	sdelay $0x1  }
0x8a: {  	s1 =	srdreg.scid  }
0x8b: {  	s0 =	sand.u32 $0x1, s1  }
0x8c: {  	s17 =	sshll.u32 s0, $0xA;
	s2 =	sadd.s32 s3, s2  }
0x8d: {  	s2 =	sadd.s32 s2, s17  }
0x8e: {  	[smem:$0x3FB2] =	sst s2  }
0x8f: {  	_ = 	snop  }
0x90: {  	(tm) =	ssettm $0x1  }
0x91: {  	s18 =	sld [smem:$0x3FFB];
	_ =	sdelay $0x3  }
0x92: {  	_ =	strace s18  }
0x93: {  	s2 =	sld [smem:$0x3FFC];
	_ =	sdelay $0x3  }
0x94: {  	_ =	strace s2  }
0x95: {  	s2 =	sld [smem:$0x3FFD];
	_ =	sdelay $0x3  }
0x96: {  	_ =	strace s2  }
0x97: {  	_ =	strace $0x8FFFFFFF  }
0x98: {  	s19 =	sld [smem:$0x3FDB];
	_ =	sdelay $0x1  }
0x99: {  	s20 =	simm.s32 $_scs_section_size  }
0x9a: {  	s4 =	simm.s32 $_size__tile_overlayer_lowered;
	s5 =	simm.s32 $_tile_overlayer_lowered  }
0x9b: {  	s6 =	simm.s32 $0x1BFF;
	s21 =	sshll.u32 s5, $0x1;
	s3 =	sadd.s32 s20, s19  }
0x9c: {  	s22 =	simm.s32 $0x0;
	s4 =	sshll.u32 s4, $0x1;
	s5 =	sadd.s32 s21, s3  }
0x9d: {  	[timem:s22], [sflag:s6] =	dma.local [hbm:s5], s4  }
0x9e: {  	_ =	swait.ge [sflag:s6], s4  }
0x9f: {  	s4 =	ssub.s32 $0x0, s4;
	[sflag:s6] =	ssyncset.done $0x0  }
0xa0: {  	[sflag:s6] =	ssyncadd.s32 s4;
	_ =	sdelay $0x1  }
0xa1: {  	s23 =	simm.s32 $0x1B8B  }
0xa2: {  	_ =	swait.ge [sflag:s23], $0x1  }
0xa3: {  	[sflag:s23] =	ssyncset.done $0x0  }
0xa4: {  	[sflag:s23] =	ssyncadd.s32 $0xFFFFFFFF  }
0xa5: {  	s4 =	sld [smem:$0x0]  }
0xa6: {  	s5 =	sand.u32 $0xFFFFFFFE, s1  }
0xa7: {  	p0 =	sne.s32 s1, s5  }
0xa8: {  	s5 =	sshll.u32 @p0 s5, $0xE  }
0xa9: {  	s5 =	sadd.s32 @p0 $0x11B8D, s5;
	s6 =	sshll.u32 @p0 s4, $0x11  }
0xaa: {  	s5 =	sor.u32 @p0 s6, s5  }
0xab: {  	[sflag:s5] =	ssyncadd.remote.s32 @p0 $0x1;
	_ =	sdelay $0x1  }
0xac: {  	s5 =	simm.s32 @p0 $0x1B8D  }
0xad: {  	_ =	swait.eq @p0 [sflag:s5], $0x1  }
0xae: {  	[sflag:s5] =	ssyncadd.s32 @p0 $0xFFFFFFFF  }
0xaf: {  	s6 =	sshll.u32 @!p0 s1, $0xE  }
0xb0: {  	s6 =	sor.u32 @!p0 $0x4000, s6;
	s5 =	simm.s32 @!p0 $0x1B8D  }
0xb1: {  	s4 =	sshll.u32 @!p0 s4, $0x11;
	s6 =	sadd.s32 @!p0 $0x11B8D, s6;
	_ =	swait.eq @!p0 [sflag:s5], $0x1  }
0xb2: {  	s4 =	sor.u32 @!p0 s4, s6;
	[sflag:s5] =	ssyncadd.s32 @!p0 $0xFFFFFFFF  }
0xb3: {  	s25 =	simm.s32 $0x1B8E;
	s24 =	sld [smem:$0x3FFE];
	[sflag:s4] =	ssyncadd.remote.s32 @!p0 $0x1  }
0xb4: {  	s26 =	simm.s32 $execute0_lowered;
	[smem:$0x3FD2] =	sst s25  }
0xb5: {  	s5 =	sshll.u32 s26, $0x1;
	_ =	strace $0x80000049;
	[dreg:$0x1] =	wrdreg $0xFFFFFFFF  }
0xb6: {  	s28 =	simm.s32 $_size_execute0_lowered;
	s3 =	sadd.s32 s3, s5;
	[dreg:$0x0] =	wrdreg $0x0  }
0xb7: {  	s5 =	sshll.u32 s28, $0x1;
	[dreg:$0x2] =	wrdreg s3  }
0xb8: {  	[dreg:$0x3] =	wrdreg s5  }
0xb9: {  	[dreg:$0x4] =	wrdreg $0xC0  }
0xba: {  	_ =	task [dreg:s22], $0x5FFFF  }
0xbb: {  	[dreg:$0x1] =	wrdreg $0xFFFFFFFF  }
0xbc: {  	[dreg:$0x0] =	wrdreg $0x60  }
0xbd: {  	[dreg:$0x2] =	wrdreg s24  }
0xbe: {  	[dreg:$0x3] =	wrdreg $0x9  }
0xbf: {  	_ =	task.clear_ibuf [dreg:s22], $0x4FFFF;
	_ =	strace $0x90000049  }
0xc0: {  	s29 =	simm.s32 $0x9;
	_ =	strace $0x8000004B  }
0xc1: {  	_ =	swait.ge [sflag:s29], $0x1  }
0xc2: {  	[sflag:s29] =	ssyncadd.s32 $0xFFFFFFFF  }
0xc3: {  	_ =	strace $0x9000004B  }
0xc4: {  	_ =	sfence  }
0xc5: {  	s30 =	sld [smem:$0x0];
	_ =	sdelay $0x2  }
0xc6: {  	s31 =	sshll.u32 s1, $0xD;
	s1 =	sshrl.u32 s1, $0x2  }
0xc7: {  	s4 =	sand.u32 $0x4000, s31;
	s1 =	sadd.s32 s1, s30  }
0xc8: {  	s0 =	sor.u32 s4, s0;
	s1 =	sshll.u32 s1, $0x11  }
0xc9: {  	s0 =	sor.u32 s1, s0  }
0xca: {  	s0 =	sadd.s32 $0x8F2B, s0  }
0xcb: {  	[sflag:s0] =	ssyncadd.remote.s32 $0x1  }
0xcc: {  	_ =	sfence.sel $0xFFFF  }
0xcd: {  	[dreg:$0x0] =	wrdreg $0xFFFFFFFF;
	(pc) =	sbr.abs _section_cstart, $3  }
0xce: {  	[dreg:$0x1] =	wrdreg $0xFFFFFFFF  }
0xcf: {  	_ =	task.clear_ibuf [dreg:s22], $0x2FFFF;
	_ =	strace $0x9FFFFFFF  }
0xd0: {  	(tm) =	ssettm $0x7FFFFFFF  }
0xd1: {  	_ =	shalt  }
tec
execute0_lowered:
.L_overlay_start_1:
0x0: {  	(tag) =	ssettag $0x1  }
0x1: {  	s0 =	srdreg.scid;
	s2 =	stileid.u32  }
0x2: {  	s1 =	rddreg [dreg:$0x0];
	s28 =	simm.s32 $0x1;
	s31 =	simm.s32 $0x180  }
0x3: {  	s16 =	simm.s32 $0xC400;
	s14 =	simm.s32 $0x10400;
	s30 =	simm.s32 $0x280  }
0x4: {  	s13 =	simm.s32 $0x14400;
	s12 =	simm.s32 $0x2;
	s29 =	simm.s32 $0x300  }
0x5: {  	s10 =	simm.s32 $0x3;
	p0 =	por $0x0, $0x0;
	s11 =	simm.s32 $0xA  }
0x6: {  	s0 =	sand.u32 $0x1, s0;
	s3 =	sshll.u32 s2, $0xA;
	s5 =	sadd.s32 $0x4DA800, s1  }
0x7: {  	s2 =	simm.s32 $0x0;
	s9 =	sadd.s32 $0x51A800, s1;
	s19 =	sadd.s32 $0x444C00, s1  }
0x8: {  	s15 =	sadd.s32 $0x4C4C00, s1;
	s4 =	sshll.u32 s0, $0x9;
	[smem:$0x7FF] =	sst s2  }
0x9: {  	s0 =	ssub.s32 $0x2, s0;
	s3 =	sor.u32 s4, s3;
	_ =	strace $0x8000004A  }
0xa: {  	s24 =	sshrl.u32 s0, $0x1;
	s4 =	sshrl.u32 s3, $0x3;
	s3 =	sshll.u32 s3, $0x4  }
0xb: {  	s0 =	ssub.s32 s0, s24;
	s4 =	sadd.s32 s4, s1;
	s17 =	sadd.s32 s5, s3  }
0xc: {  	s18 =	sor.u32 $0x800, s3;
	s7 =	sor.u32 $0x1000, s3;
	s8 =	sor.u32 $0x1800, s3  }
0xd: {  	s3 =	sadd.s32 s9, s3;
	s0 =	smax.u32 s0, $0x1;
	[dreg:$0x4] =	wrdreg s17  }
0xe: {  	s6 =	sadd.s32 $0x4D9800, s4;
	s4 =	sadd.s32 $0x4DA000, s4;
	[dreg:$0x8] =	wrdreg s3  }
0xf: {  	s20 =	sadd.s32 s5, s18;
	s21 =	sadd.s32 s5, s7;
	[dreg:$0x2] =	wrdreg s6  }
0x10: {  	s22 =	sadd.s32 s5, s8;
	s23 =	sadd.s32 s9, s18;
	[dreg:$0x3] =	wrdreg s4  }
0x11: {  	s25 =	sadd.s32 s9, s7;
	s26 =	sadd.s32 s9, s8;
	[dreg:$0x5] =	wrdreg s20  }
0x12: {  	s18 =	simm.s32 $0x80;
	s3 =	simm.s32 $0x4400;
	[dreg:$0x6] =	wrdreg s21  }
0x13: {  	s17 =	simm.s32 $0x8400;
	s5 =	simm.s32 $0x8;
	[dreg:$0x7] =	wrdreg s22  }
0x14: {  	p1 =	sne.s32 s0, $0x1;
	s24 =	sadd.s32 $0xFFFFFFFF, s0;
	[dreg:$0x9] =	wrdreg s23  }
.Ltmp0:
0x15: {  	s9 =	simm.s32 $0xB;
	[dreg:$0xa] =	wrdreg s25;
	(pc) =	sbr.rel @!p1 .LBB2_1-.Ltmp0, $4  }
0x16: {  	s8 =	simm.s32 $0xC;
	s7 =	simm.s32 $0xD;
	[dreg:$0xb] =	wrdreg s26  }
0x17: {  	s25 =	simm.s32 $0x200;
	s4 =	simm.s32 $0x400;
	s6 =	simm.s32 $0x9  }
0x18: {  	s26 =	simm.s32 $0x380;
	s23 =	simm.s32 $0x4;
	s22 =	simm.s32 $0x5  }
0x19: {  	s21 =	simm.s32 $0x6;
	s20 =	simm.s32 $0x7;
	s0 =	rddreg [dreg:$0x2]  }
0x1a: {  	[tilespmem:s2], [sflag:$0x1] =	stream.linear.gather [hbm4b:s0+s2], $0x200, $0x38;
	[tilespmem:$0x18400] =	vst v63  }
0x1b: {  	s1 =	rddreg [dreg:$0x3]  }
0x1c: {  	[tilespmem:s25], [sflag:$0x1] =	stream.linear.gather [hbm4b:s1+s2], $0x200, $0x38;
	[tilespmem:$0x18400] =	vst v63  }
0x1d: {  	_ =	swait.ge [sflag:s28], $0x200  }
0x1e: {  	[sflag:s28] =	ssyncset.done $0x0  }
0x1f: {  	[sflag:s28] =	ssyncadd.s32 $0xFFFFFE00  }
0x20: {  	_ =	swait.ge [sflag:s28], $0x200  }
0x21: {  	[sflag:s28] =	ssyncset.done $0x0  }
0x22: {  	[sflag:s28] =	ssyncadd.s32 $0xFFFFFE00  }
0x23: {  	[tilespmem:s4], [sflag:$0x2] =	stream.indirect.gather [hbm4b:s19+s18], $0x80, s2, s18, $0xb8;
	[tilespmem:$0x18400] =	vst v63  }
0x24: {  	_ = 	snop  }
0x25: {  	[tilespmem:s3], [sflag:$0x3] =	stream.indirect.gather [hbm4b:s19+s18], $0x80, s18, s18, $0xb8;
	[tilespmem:$0x18400] =	vst v63  }
0x26: {  	s1 =	simm.s32 $0x100  }
0x27: {  	[tilespmem:s17], [sflag:$0x4] =	stream.indirect.gather [hbm4b:s19+s18], $0x80, s1, s18, $0xb8;
	[tilespmem:$0x18400] =	vst v63  }
0x28: {  	_ = 	snop  }
0x29: {  	[tilespmem:s16], [sflag:$0x5] =	stream.indirect.gather [hbm4b:s19+s18], $0x80, s31, s18, $0xb8;
	[tilespmem:$0x18400] =	vst v63  }
0x2a: {  	_ = 	snop  }
0x2b: {  	[tilespmem:s14], [sflag:$0x6] =	stream.indirect.gather [hbm4b:s15+s18], $0x80, s25, s18, $0xb8;
	[tilespmem:$0x18400] =	vst v63  }
0x2c: {  	_ = 	snop  }
0x2d: {  	[tilespmem:s13], [sflag:$0x7] =	stream.indirect.gather [hbm4b:s15+s18], $0x80, s30, s18, $0xb8;
	[tilespmem:$0x18400] =	vst v63  }
0x2e: {  	_ =	swait.ge [sflag:s12], $0x4000  }
0x2f: {  	[sflag:s12] =	ssyncset.done $0x0  }
0x30: {  	s1 =	rddreg [dreg:$0x4];
	[sflag:s12] =	ssyncadd.s32 $0xFFFFC000  }
0x31: {  	[hbm4b:s1+s2] =	stream.linear.scatter [tilespmem:s4], [sflag:$0x8], $0x4000, $0x38;
	[tilespmem:$0x18400] =	vst v63  }
0x32: {  	_ =	swait.ge [sflag:s5], $0x4000  }
0x33: {  	[sflag:s5] =	ssyncset.done $0x0  }
0x34: {  	[sflag:s5] =	ssyncadd.s32 $0xFFFFC000  }
0x35: {  	[tilespmem:s4], [sflag:$0x2] =	stream.indirect.gather [hbm4b:s15+s18], $0x80, s29, s18, $0xb8;
	[tilespmem:$0x18400] =	vst v63  }
0x36: {  	_ =	swait.ge [sflag:s10], $0x4000  }
0x37: {  	[sflag:s10] =	ssyncset.done $0x0  }
0x38: {  	s1 =	rddreg [dreg:$0x5];
	[sflag:s10] =	ssyncadd.s32 $0xFFFFC000  }
0x39: {  	[hbm4b:s1+s2] =	stream.linear.scatter [tilespmem:s3], [sflag:$0x9], $0x4000, $0x38;
	[tilespmem:$0x18400] =	vst v63  }
0x3a: {  	_ =	swait.ge [sflag:s6], $0x4000  }
0x3b: {  	[sflag:s6] =	ssyncset.done $0x0  }
0x3c: {  	[sflag:s6] =	ssyncadd.s32 $0xFFFFC000  }
0x3d: {  	[tilespmem:s3], [sflag:$0x3] =	stream.indirect.gather [hbm4b:s15+s18], $0x80, s26, s18, $0xb8;
	[tilespmem:$0x18400] =	vst v63  }
0x3e: {  	_ =	swait.ge [sflag:s23], $0x4000  }
0x3f: {  	[sflag:s23] =	ssyncset.done $0x0  }
0x40: {  	s1 =	rddreg [dreg:$0x6];
	[sflag:s23] =	ssyncadd.s32 $0xFFFFC000  }
0x41: {  	[hbm4b:s1+s2] =	stream.linear.scatter [tilespmem:s17], [sflag:$0xA], $0x4000, $0x38;
	[tilespmem:$0x18400] =	vst v63  }
0x42: {  	_ =	swait.ge [sflag:s22], $0x4000  }
0x43: {  	[sflag:s22] =	ssyncset.done $0x0  }
0x44: {  	s1 =	rddreg [dreg:$0x7];
	[sflag:s22] =	ssyncadd.s32 $0xFFFFC000  }
0x45: {  	[hbm4b:s1+s2] =	stream.linear.scatter [tilespmem:s16], [sflag:$0xB], $0x4000, $0x38;
	[tilespmem:$0x18400] =	vst v63  }
0x46: {  	_ =	swait.ge [sflag:s21], $0x4000  }
0x47: {  	[sflag:s21] =	ssyncset.done $0x0  }
0x48: {  	s1 =	rddreg [dreg:$0x8];
	[sflag:s21] =	ssyncadd.s32 $0xFFFFC000  }
0x49: {  	[hbm4b:s1+s2] =	stream.linear.scatter [tilespmem:s14], [sflag:$0xC], $0x4000, $0x38;
	[tilespmem:$0x18400] =	vst v63  }
0x4a: {  	_ =	swait.ge [sflag:s20], $0x4000  }
0x4b: {  	[sflag:s20] =	ssyncset.done $0x0  }
0x4c: {  	s1 =	rddreg [dreg:$0x9];
	[sflag:s20] =	ssyncadd.s32 $0xFFFFC000  }
0x4d: {  	[hbm4b:s1+s2] =	stream.linear.scatter [tilespmem:s13], [sflag:$0xD], $0x4000, $0x38;
	[tilespmem:$0x18400] =	vst v63  }
0x4e: {  	_ =	swait.ge [sflag:s12], $0x4000  }
0x4f: {  	[sflag:s12] =	ssyncset.done $0x0  }
0x50: {  	s1 =	rddreg [dreg:$0xa];
	[sflag:s12] =	ssyncadd.s32 $0xFFFFC000  }
0x51: {  	[hbm4b:s1+s2] =	stream.linear.scatter [tilespmem:s4], [sflag:$0x8], $0x4000, $0x38;
	[tilespmem:$0x18400] =	vst v63  }
0x52: {  	_ =	swait.ge [sflag:s10], $0x4000  }
0x53: {  	[sflag:s10] =	ssyncset.done $0x0  }
0x54: {  	s1 =	rddreg [dreg:$0xb];
	[sflag:s10] =	ssyncadd.s32 $0xFFFFC000  }
0x55: {  	[hbm4b:s1+s2] =	stream.linear.scatter [tilespmem:s3], [sflag:$0x9], $0x4000, $0x38;
	[tilespmem:$0x18400] =	vst v63  }
0x56: {  	_ =	swait.ge [sflag:s5], $0x4000  }
0x57: {  	[sflag:s5] =	ssyncset.done $0x0  }
0x58: {  	[sflag:s5] =	ssyncadd.s32 $0xFFFFC000  }
0x59: {  	_ =	swait.ge [sflag:s6], $0x4000  }
0x5a: {  	[sflag:s6] =	ssyncset.done $0x0  }
0x5b: {  	[sflag:s6] =	ssyncadd.s32 $0xFFFFC000  }
0x5c: {  	_ =	swait.ge [sflag:s11], $0x4000  }
0x5d: {  	[sflag:s11] =	ssyncset.done $0x0  }
0x5e: {  	[sflag:s11] =	ssyncadd.s32 $0xFFFFC000  }
0x5f: {  	_ =	swait.ge [sflag:s9], $0x4000  }
0x60: {  	[sflag:s9] =	ssyncset.done $0x0  }
0x61: {  	p1 =	sne.s32 s24, $0x1;
	[sflag:s9] =	ssyncadd.s32 $0xFFFFC000  }
.Ltmp1:
0x62: {  	_ =	swait.ge [sflag:s8], $0x4000;
	(pc) =	sbr.rel @!p1 .LBB2_3-.Ltmp1, $4  }
0x63: {  	[sflag:s8] =	ssyncset.done $0x0  }
0x64: {  	[sflag:s8] =	ssyncadd.s32 $0xFFFFC000  }
0x65: {  	p0 =	por $0x1, $0x1;
	_ =	swait.ge [sflag:s7], $0x4000  }
0x66: {  	s1 =	sadd.s32 $0xFFFFFFFF, s24;
	s0 =	rddreg [dreg:$0x2];
	[sflag:s7] =	ssyncset.done $0x0  }
.LBB2_4:
0x67: {  	[sflag:s7] =	ssyncadd.s32 $0xFFFFC000  }
0x68: {  	[tilespmem:s2], [sflag:$0x1] =	stream.linear.gather [hbm4b:s0+s2], $0x200, $0x38;
	[tilespmem:$0x18400] =	vst v63  }
0x69: {  	s24 =	rddreg [dreg:$0x3]  }
0x6a: {  	[tilespmem:s25], [sflag:$0x1] =	stream.linear.gather [hbm4b:s24+s2], $0x200, $0x38;
	[tilespmem:$0x18400] =	vst v63  }
0x6b: {  	_ =	swait.ge [sflag:s28], $0x200  }
0x6c: {  	[sflag:s28] =	ssyncset.done $0x0  }
0x6d: {  	[sflag:s28] =	ssyncadd.s32 $0xFFFFFE00  }
0x6e: {  	_ =	swait.ge [sflag:s28], $0x200  }
0x6f: {  	[sflag:s28] =	ssyncset.done $0x0  }
0x70: {  	[sflag:s28] =	ssyncadd.s32 $0xFFFFFE00  }
0x71: {  	[tilespmem:s4], [sflag:$0x2] =	stream.indirect.gather [hbm4b:s19+s18], $0x80, s2, s18, $0xb8;
	[tilespmem:$0x18400] =	vst v63  }
0x72: {  	_ = 	snop  }
0x73: {  	[tilespmem:s3], [sflag:$0x3] =	stream.indirect.gather [hbm4b:s19+s18], $0x80, s18, s18, $0xb8;
	[tilespmem:$0x18400] =	vst v63  }
0x74: {  	s24 =	simm.s32 $0x100  }
0x75: {  	[tilespmem:s17], [sflag:$0x4] =	stream.indirect.gather [hbm4b:s19+s18], $0x80, s24, s18, $0xb8;
	[tilespmem:$0x18400] =	vst v63  }
0x76: {  	_ = 	snop  }
0x77: {  	[tilespmem:s16], [sflag:$0x5] =	stream.indirect.gather [hbm4b:s19+s18], $0x80, s31, s18, $0xb8;
	[tilespmem:$0x18400] =	vst v63  }
0x78: {  	_ = 	snop  }
0x79: {  	[tilespmem:s14], [sflag:$0x6] =	stream.indirect.gather [hbm4b:s15+s18], $0x80, s25, s18, $0xb8;
	[tilespmem:$0x18400] =	vst v63  }
0x7a: {  	_ = 	snop  }
0x7b: {  	[tilespmem:s13], [sflag:$0x7] =	stream.indirect.gather [hbm4b:s15+s18], $0x80, s30, s18, $0xb8;
	[tilespmem:$0x18400] =	vst v63  }
0x7c: {  	_ =	swait.ge [sflag:s12], $0x4000  }
0x7d: {  	[sflag:s12] =	ssyncset.done $0x0  }
0x7e: {  	s24 =	rddreg [dreg:$0x4];
	[sflag:s12] =	ssyncadd.s32 $0xFFFFC000  }
0x7f: {  	[hbm4b:s24+s2] =	stream.linear.scatter [tilespmem:s4], [sflag:$0x8], $0x4000, $0x38;
	[tilespmem:$0x18400] =	vst v63  }
0x80: {  	_ =	swait.ge [sflag:s5], $0x4000  }
0x81: {  	[sflag:s5] =	ssyncset.done $0x0  }
0x82: {  	[sflag:s5] =	ssyncadd.s32 $0xFFFFC000  }
0x83: {  	[tilespmem:s4], [sflag:$0x2] =	stream.indirect.gather [hbm4b:s15+s18], $0x80, s29, s18, $0xb8;
	[tilespmem:$0x18400] =	vst v63  }
0x84: {  	_ =	swait.ge [sflag:s10], $0x4000  }
0x85: {  	[sflag:s10] =	ssyncset.done $0x0  }
0x86: {  	s24 =	rddreg [dreg:$0x5];
	[sflag:s10] =	ssyncadd.s32 $0xFFFFC000  }
0x87: {  	[hbm4b:s24+s2] =	stream.linear.scatter [tilespmem:s3], [sflag:$0x9], $0x4000, $0x38;
	[tilespmem:$0x18400] =	vst v63  }
0x88: {  	_ =	swait.ge [sflag:s6], $0x4000  }
0x89: {  	[sflag:s6] =	ssyncset.done $0x0  }
0x8a: {  	[sflag:s6] =	ssyncadd.s32 $0xFFFFC000  }
0x8b: {  	[tilespmem:s3], [sflag:$0x3] =	stream.indirect.gather [hbm4b:s15+s18], $0x80, s26, s18, $0xb8;
	[tilespmem:$0x18400] =	vst v63  }
0x8c: {  	_ =	swait.ge [sflag:s23], $0x4000  }
0x8d: {  	[sflag:s23] =	ssyncset.done $0x0  }
0x8e: {  	s24 =	rddreg [dreg:$0x6];
	[sflag:s23] =	ssyncadd.s32 $0xFFFFC000  }
0x8f: {  	[hbm4b:s24+s2] =	stream.linear.scatter [tilespmem:s17], [sflag:$0xA], $0x4000, $0x38;
	[tilespmem:$0x18400] =	vst v63  }
0x90: {  	_ =	swait.ge [sflag:s22], $0x4000  }
0x91: {  	[sflag:s22] =	ssyncset.done $0x0  }
0x92: {  	s24 =	rddreg [dreg:$0x7];
	[sflag:s22] =	ssyncadd.s32 $0xFFFFC000  }
0x93: {  	[hbm4b:s24+s2] =	stream.linear.scatter [tilespmem:s16], [sflag:$0xB], $0x4000, $0x38;
	[tilespmem:$0x18400] =	vst v63  }
0x94: {  	_ =	swait.ge [sflag:s21], $0x4000  }
0x95: {  	[sflag:s21] =	ssyncset.done $0x0  }
0x96: {  	s24 =	rddreg [dreg:$0x8];
	[sflag:s21] =	ssyncadd.s32 $0xFFFFC000  }
0x97: {  	[hbm4b:s24+s2] =	stream.linear.scatter [tilespmem:s14], [sflag:$0xC], $0x4000, $0x38;
	[tilespmem:$0x18400] =	vst v63  }
0x98: {  	_ =	swait.ge [sflag:s20], $0x4000  }
0x99: {  	[sflag:s20] =	ssyncset.done $0x0  }
0x9a: {  	s24 =	rddreg [dreg:$0x9];
	[sflag:s20] =	ssyncadd.s32 $0xFFFFC000  }
0x9b: {  	[hbm4b:s24+s2] =	stream.linear.scatter [tilespmem:s13], [sflag:$0xD], $0x4000, $0x38;
	[tilespmem:$0x18400] =	vst v63  }
0x9c: {  	_ =	swait.ge [sflag:s12], $0x4000  }
0x9d: {  	[sflag:s12] =	ssyncset.done $0x0  }
0x9e: {  	s24 =	rddreg [dreg:$0xa];
	[sflag:s12] =	ssyncadd.s32 $0xFFFFC000  }
0x9f: {  	[hbm4b:s24+s2] =	stream.linear.scatter [tilespmem:s4], [sflag:$0x8], $0x4000, $0x38;
	[tilespmem:$0x18400] =	vst v63  }
0xa0: {  	_ =	swait.ge [sflag:s10], $0x4000  }
0xa1: {  	[sflag:s10] =	ssyncset.done $0x0  }
0xa2: {  	s24 =	rddreg [dreg:$0xb];
	[sflag:s10] =	ssyncadd.s32 $0xFFFFC000  }
0xa3: {  	[hbm4b:s24+s2] =	stream.linear.scatter [tilespmem:s3], [sflag:$0x9], $0x4000, $0x38;
	[tilespmem:$0x18400] =	vst v63  }
0xa4: {  	_ =	swait.ge [sflag:s5], $0x4000  }
0xa5: {  	[sflag:s5] =	ssyncset.done $0x0  }
0xa6: {  	[sflag:s5] =	ssyncadd.s32 $0xFFFFC000  }
0xa7: {  	_ =	swait.ge [sflag:s6], $0x4000  }
0xa8: {  	[sflag:s6] =	ssyncset.done $0x0  }
0xa9: {  	[sflag:s6] =	ssyncadd.s32 $0xFFFFC000  }
0xaa: {  	_ =	swait.ge [sflag:s11], $0x4000  }
0xab: {  	[sflag:s11] =	ssyncset.done $0x0  }
0xac: {  	[sflag:s11] =	ssyncadd.s32 $0xFFFFC000  }
0xad: {  	_ =	swait.ge [sflag:s9], $0x4000  }
0xae: {  	[sflag:s9] =	ssyncset.done $0x0  }
0xaf: {  	p1 =	sne.s32 s1, $0x1;
	[sflag:s9] =	ssyncadd.s32 $0xFFFFC000  }
.Ltmp2:
0xb0: {  	_ =	swait.ge [sflag:s8], $0x4000;
	(pc) =	sbr.rel @p1 .LBB2_4-.Ltmp2, $4  }
0xb1: {  	[sflag:s8] =	ssyncset.done $0x0  }
0xb2: {  	[sflag:s8] =	ssyncadd.s32 $0xFFFFC000  }
0xb3: {  	_ =	swait.ge [sflag:s7], $0x4000  }
0xb4: {  	s1 =	sadd.s32 $0xFFFFFFFF, s1;
	s0 =	rddreg [dreg:$0x2];
	[sflag:s7] =	ssyncset.done $0x0  }
0xb5: {  	s24 =	simm.s32 $0x280;
	s31 =	simm.s32 $0x180  }
0xb6: {  	s30 =	simm.s32 $0x100;
	s29 =	simm.s32 $0x300;
	s26 =	simm.s32 $0x380  }
.LBB2_6:
0xb7: {  	[sflag:s7] =	ssyncadd.s32 @p0 $0xFFFFC000  }
0xb8: {  	[tilespmem:s2], [sflag:$0x1] =	stream.linear.gather [hbm4b:s0+s2], $0x200, $0x38;
	[tilespmem:$0x18400] =	vst v63  }
0xb9: {  	s1 =	rddreg [dreg:$0x3]  }
0xba: {  	[tilespmem:s25], [sflag:$0x1] =	stream.linear.gather [hbm4b:s1+s2], $0x200, $0x38;
	[tilespmem:$0x18400] =	vst v63  }
0xbb: {  	_ =	swait.ge [sflag:s28], $0x200  }
0xbc: {  	[sflag:s28] =	ssyncset.done $0x0  }
0xbd: {  	[sflag:s28] =	ssyncadd.s32 $0xFFFFFE00  }
0xbe: {  	_ =	swait.ge [sflag:s28], $0x200  }
0xbf: {  	[sflag:s28] =	ssyncset.done $0x0  }
0xc0: {  	[sflag:s28] =	ssyncadd.s32 $0xFFFFFE00  }
0xc1: {  	[tilespmem:s4], [sflag:$0x2] =	stream.indirect.gather [hbm4b:s19+s18], $0x80, s2, s18, $0xb8;
	[tilespmem:$0x18400] =	vst v63  }
0xc2: {  	_ = 	snop  }
0xc3: {  	[tilespmem:s3], [sflag:$0x3] =	stream.indirect.gather [hbm4b:s19+s18], $0x80, s18, s18, $0xb8;
	[tilespmem:$0x18400] =	vst v63  }
0xc4: {  	_ = 	snop  }
0xc5: {  	[tilespmem:s17], [sflag:$0x4] =	stream.indirect.gather [hbm4b:s19+s18], $0x80, s30, s18, $0xb8;
	[tilespmem:$0x18400] =	vst v63  }
0xc6: {  	_ = 	snop  }
0xc7: {  	[tilespmem:s16], [sflag:$0x5] =	stream.indirect.gather [hbm4b:s19+s18], $0x80, s31, s18, $0xb8;
	[tilespmem:$0x18400] =	vst v63  }
0xc8: {  	_ = 	snop  }
0xc9: {  	[tilespmem:s14], [sflag:$0x6] =	stream.indirect.gather [hbm4b:s15+s18], $0x80, s25, s18, $0xb8;
	[tilespmem:$0x18400] =	vst v63  }
0xca: {  	_ = 	snop  }
0xcb: {  	[tilespmem:s13], [sflag:$0x7] =	stream.indirect.gather [hbm4b:s15+s18], $0x80, s24, s18, $0xb8;
	[tilespmem:$0x18400] =	vst v63  }
0xcc: {  	_ =	swait.ge [sflag:s12], $0x4000  }
0xcd: {  	[sflag:s12] =	ssyncset.done $0x0  }
0xce: {  	s1 =	rddreg [dreg:$0x4];
	[sflag:s12] =	ssyncadd.s32 $0xFFFFC000  }
0xcf: {  	[hbm4b:s1+s2] =	stream.linear.scatter [tilespmem:s4], [sflag:$0x8], $0x4000, $0x38;
	[tilespmem:$0x18400] =	vst v63  }
0xd0: {  	_ =	swait.ge [sflag:s5], $0x4000  }
0xd1: {  	[sflag:s5] =	ssyncset.done $0x0  }
0xd2: {  	[sflag:s5] =	ssyncadd.s32 $0xFFFFC000  }
0xd3: {  	[tilespmem:s4], [sflag:$0x2] =	stream.indirect.gather [hbm4b:s15+s18], $0x80, s29, s18, $0xb8;
	[tilespmem:$0x18400] =	vst v63  }
0xd4: {  	_ =	swait.ge [sflag:s10], $0x4000  }
0xd5: {  	[sflag:s10] =	ssyncset.done $0x0  }
0xd6: {  	s19 =	rddreg [dreg:$0x5];
	[sflag:s10] =	ssyncadd.s32 $0xFFFFC000  }
0xd7: {  	[hbm4b:s19+s2] =	stream.linear.scatter [tilespmem:s3], [sflag:$0x9], $0x4000, $0x38;
	[tilespmem:$0x18400] =	vst v63  }
0xd8: {  	_ =	swait.ge [sflag:s6], $0x4000  }
0xd9: {  	[sflag:s6] =	ssyncset.done $0x0  }
0xda: {  	[sflag:s6] =	ssyncadd.s32 $0xFFFFC000  }
0xdb: {  	[tilespmem:s3], [sflag:$0x3] =	stream.indirect.gather [hbm4b:s15+s18], $0x80, s26, s18, $0xb8;
	[tilespmem:$0x18400] =	vst v63  }
0xdc: {  	_ =	swait.ge [sflag:s23], $0x4000  }
0xdd: {  	[sflag:s23] =	ssyncset.done $0x0  }
0xde: {  	s24 =	rddreg [dreg:$0x6];
	[sflag:s23] =	ssyncadd.s32 $0xFFFFC000  }
0xdf: {  	[hbm4b:s24+s2] =	stream.linear.scatter [tilespmem:s17], [sflag:$0xA], $0x4000, $0x38;
	[tilespmem:$0x18400] =	vst v63  }
0xe0: {  	_ =	swait.ge [sflag:s22], $0x4000  }
0xe1: {  	[sflag:s22] =	ssyncset.done $0x0  }
0xe2: {  	s25 =	rddreg [dreg:$0x7];
	[sflag:s22] =	ssyncadd.s32 $0xFFFFC000  }
0xe3: {  	[hbm4b:s25+s2] =	stream.linear.scatter [tilespmem:s16], [sflag:$0xB], $0x4000, $0x38;
	[tilespmem:$0x18400] =	vst v63  }
0xe4: {  	_ =	swait.ge [sflag:s21], $0x4000  }
0xe5: {  	[sflag:s21] =	ssyncset.done $0x0  }
0xe6: {  	s26 =	rddreg [dreg:$0x8];
	[sflag:s21] =	ssyncadd.s32 $0xFFFFC000  }
0xe7: {  	[hbm4b:s26+s2] =	stream.linear.scatter [tilespmem:s14], [sflag:$0xC], $0x4000, $0x38;
	[tilespmem:$0x18400] =	vst v63  }
0xe8: {  	_ =	swait.ge [sflag:s20], $0x4000  }
0xe9: {  	[sflag:s20] =	ssyncset.done $0x0  }
0xea: {  	s28 =	rddreg [dreg:$0x9];
	[sflag:s20] =	ssyncadd.s32 $0xFFFFC000  }
0xeb: {  	[hbm4b:s28+s2] =	stream.linear.scatter [tilespmem:s13], [sflag:$0xD], $0x4000, $0x38;
	[tilespmem:$0x18400] =	vst v63  }
0xec: {  	_ =	swait.ge [sflag:s12], $0x4000  }
0xed: {  	[sflag:s12] =	ssyncset.done $0x0  }
0xee: {  	s29 =	rddreg [dreg:$0xa];
	[sflag:s12] =	ssyncadd.s32 $0xFFFFC000  }
0xef: {  	[hbm4b:s29+s2] =	stream.linear.scatter [tilespmem:s4], [sflag:$0x8], $0x4000, $0x38;
	[tilespmem:$0x18400] =	vst v63  }
0xf0: {  	_ =	swait.ge [sflag:s10], $0x4000  }
0xf1: {  	[sflag:s10] =	ssyncset.done $0x0  }
0xf2: {  	s30 =	rddreg [dreg:$0xb];
	[sflag:s10] =	ssyncadd.s32 $0xFFFFC000  }
0xf3: {  	[hbm4b:s30+s2] =	stream.linear.scatter [tilespmem:s3], [sflag:$0x9], $0x4000, $0x38;
	[tilespmem:$0x18400] =	vst v63  }
0xf4: {  	_ =	swait.ge [sflag:s5], $0x4000  }
0xf5: {  	[sflag:s5] =	ssyncset.done $0x0  }
0xf6: {  	[sflag:s5] =	ssyncadd.s32 $0xFFFFC000  }
0xf7: {  	_ =	swait.ge [sflag:s6], $0x4000  }
0xf8: {  	[sflag:s6] =	ssyncset.done $0x0  }
0xf9: {  	[sflag:s6] =	ssyncadd.s32 $0xFFFFC000  }
0xfa: {  	_ =	swait.ge [sflag:s11], $0x4000  }
0xfb: {  	[sflag:s11] =	ssyncset.done $0x0  }
0xfc: {  	[sflag:s11] =	ssyncadd.s32 $0xFFFFC000  }
0xfd: {  	_ =	swait.ge [sflag:s9], $0x4000  }
0xfe: {  	[sflag:s9] =	ssyncset.done $0x0  }
0xff: {  	[sflag:s9] =	ssyncadd.s32 $0xFFFFC000  }
0x100: {  	_ =	swait.ge [sflag:s8], $0x4000  }
0x101: {  	[sflag:s8] =	ssyncset.done $0x0  }
0x102: {  	[sflag:s8] =	ssyncadd.s32 $0xFFFFC000  }
0x103: {  	_ =	swait.ge [sflag:s7], $0x4000  }
0x104: {  	[sflag:s7] =	ssyncset.done $0x0  }
0x105: {  	[sflag:s7] =	ssyncadd.s32 $0xFFFFC000  }
0x106: {  	_ =	sfence.sel $0x180000  }
0x107: {  	[bflag:$0x0] =	sbarrier.arrive $0xFFFF  }
0x108: {  	_ =	strace $0x9000004A  }
0x109: {  	s31 =	stileid.u32;
	[bflag:$0x2] =	sbarrier.arrive $0xFFFF  }
0x10a: {  	p0 =	sne.s32 s31, $0x0;
	s0 =	rddreg [dreg:$0x1]  }
0x10b: {  	s0 =	sadd.s32 @!p0 $0x100000, s0  }
0x10c: {  	[sflag:s0] =	ssyncadd.tile.s32 @!p0 $0x1;
	_ =	shalt  }
.LBB2_1:
.Ltmp3:
0x10d: {  	(pc) =	sbr.rel .LBB2_6-.Ltmp3, $3  }
0x10e: {  	_ =	sdelay $0x1  }
0x10f: {  	s24 =	simm.s32 $0x280;
	s31 =	simm.s32 $0x180  }
0x110: {  	s30 =	simm.s32 $0x100;
	s29 =	simm.s32 $0x300;
	s26 =	simm.s32 $0x380  }
.LBB2_3:
.Ltmp4:
0x111: {  	(pc) =	sbr.rel .LBB2_6-.Ltmp4, $3  }
0x112: {  	_ =	sdelay $0x1  }
0x113: {  	s24 =	simm.s32 $0x280;
	s31 =	simm.s32 $0x180  }
0x114: {  	s30 =	simm.s32 $0x100;
	s29 =	simm.s32 $0x300;
	s26 =	simm.s32 $0x380  }
.Lfunc_end2:
_tile_overlayer_lowered:
.L_overlay_start_2:
0x115: {  	(tag) =	ssettag $0x2  }
0x116: {  	s0 =	rddreg [dreg:$0x0];
	s2 =	stileid.u32  }
0x117: {  	s1 =	rddreg [dreg:$0x1];
	p0 =	sne.s32 s2, $0x0  }
0x118: {  	s3 =	rddreg [dreg:$0x2];
	[bflag:$0x3] =	sbarrier.arrive $0xFFFF;
	s2 =	simm.s32 @!p0 $0x1C0E  }
0x119: {  	[timem:s3], [sflag:s2] =	dma.local @!p0 [hbm:s0], s1  }
0x11a: {  	s0 =	simm.s32 @!p0 $0xE  }
0x11b: {  	_ =	swait.ge @!p0 [sflag:s0], s1  }
0x11c: {  	s1 =	ssub.s32 @!p0 $0x0, s1;
	[sflag:s0] =	ssyncset.done @!p0 $0x0  }
0x11d: {  	[sflag:s0] =	ssyncadd.s32 @!p0 s1  }
0x11e: {  	[bflag:$0x3] =	sbarrier.arrive $0xFFFF  }
0x11f: {  	_ =	shalt  }

</sc_bundles>
